<compile_context>
chip_gen: v7x
topology: tpu7x:2x2x1
jax: 0.10.2.dev20260603
libtpu: 0.0.44.dev20260713+nightly
codegen_flags: <defaults>
</compile_context>

<pallas_src>
import functools

import jax
import jax.numpy as jnp
from jax import lax
from jax.experimental import pallas as pl
from jax.experimental.pallas import tpu as pltpu
from jax.experimental.pallas import tpu_sc as plsc

D_MODEL = 1024
N_TOK = 8192
N_EXP = 8
ROW_TILE = 256
N_PAD = N_TOK + N_EXP * ROW_TILE
N_TILES = N_PAD // ROW_TILE

_NUM_CORES = 2
_NUM_SUBCORES = 16
_NW = _NUM_CORES * _NUM_SUBCORES
_CHUNK = 32


def _sc_scatter_rows(src, idx3, n_out):
    n_in, d = src.shape
    nw, n_chunks, chunk = idx3.shape
    assert nw == _NW and n_chunks * chunk * nw == n_in
    assert n_chunks % 2 == 0

    mesh = plsc.VectorSubcoreMesh(core_axis_name="c", subcore_axis_name="s")

    @functools.partial(
        pl.kernel,
        out_type=jax.ShapeDtypeStruct((n_out, d), jnp.float32),
        mesh=mesh,
        scratch_types=[
            pltpu.VMEM((n_chunks, chunk), jnp.int32),
            pltpu.VMEM((chunk, d), jnp.float32),
            pltpu.VMEM((chunk, d), jnp.float32),
            pltpu.VMEM((chunk, d), jnp.float32),
            pltpu.SemaphoreType.DMA,
            pltpu.SemaphoreType.DMA,
            pltpu.SemaphoreType.DMA,
            pltpu.SemaphoreType.DMA,
            pltpu.SemaphoreType.DMA,
            pltpu.SemaphoreType.DMA,
        ],
    )
    def k(src_hbm, idx_hbm, out_hbm, idx_v,
          buf0, buf1, buf2, l0, l1, l2, s0, s1, s2):
        wid = lax.axis_index("s") * _NUM_CORES + lax.axis_index("c")
        base = wid * (n_chunks * chunk)
        pltpu.sync_copy(idx_hbm.at[wid], idx_v)
        bufs = (buf0, buf1, buf2)
        lsems = (l0, l1, l2)
        ssems = (s0, s1, s2)

        def load(c, buf, sem):
            pltpu.async_copy(src_hbm.at[pl.ds(base + c * chunk, chunk)],
                             buf, sem)

        def scatter(c, buf, sem):
            pltpu.async_copy(buf, out_hbm.at[idx_v.at[c]], sem)

        def wait_load(buf, sem):
            pltpu.make_async_copy(src_hbm.at[pl.ds(0, chunk)], buf,
                                  sem).wait()

        def wait_scatter(buf, sem):
            pltpu.make_async_copy(buf, out_hbm.at[pl.ds(0, chunk)],
                                  sem).wait()

        load(0, bufs[0], lsems[0])
        load(1, bufs[1], lsems[1])
        for c in range(n_chunks):
            sl = c % 3
            if c >= 1 and c + 2 < n_chunks:
                sp = (c + 2) % 3
                wait_scatter(bufs[sp], ssems[sp])
                load(c + 2, bufs[sp], lsems[sp])
            elif c == 0 and n_chunks > 2:
                load(2, bufs[2], lsems[2])
            wait_load(bufs[sl], lsems[sl])
            scatter(c, bufs[sl], ssems[sl])
        for c in range(max(0, n_chunks - 3), n_chunks):
            sl = c % 3
            wait_scatter(bufs[sl], ssems[sl])

    return k(src, idx3)


def _sc_gather_rows(src, idx, n_out, chunk=_CHUNK):
    d = src.shape[1]
    rows_per_w = n_out // _NW
    n_chunks = rows_per_w // chunk
    assert rows_per_w % chunk == 0 and chunk <= 128 and chunk % 8 == 0
    assert n_chunks % 2 == 0 and n_chunks >= 2

    mesh = plsc.VectorSubcoreMesh(core_axis_name="c", subcore_axis_name="s")

    @functools.partial(
        pl.kernel,
        out_type=jax.ShapeDtypeStruct((n_out, d), jnp.float32),
        mesh=mesh,
        scratch_types=[
            pltpu.VMEM((rows_per_w,), jnp.int32),
            pltpu.VMEM((chunk, d), jnp.float32),
            pltpu.VMEM((chunk, d), jnp.float32),
            pltpu.VMEM((chunk, d), jnp.float32),
            pltpu.SemaphoreType.DMA,
            pltpu.SemaphoreType.DMA,
            pltpu.SemaphoreType.DMA,
            pltpu.SemaphoreType.DMA,
            pltpu.SemaphoreType.DMA,
            pltpu.SemaphoreType.DMA,
        ],
    )
    def k(src_hbm, idx_hbm, out_hbm, idx_v,
          buf0, buf1, buf2, g0, g1, g2, w0, w1, w2):
        wid = lax.axis_index("s") * _NUM_CORES + lax.axis_index("c")
        base = wid * rows_per_w
        pltpu.sync_copy(idx_hbm.at[pl.ds(base, rows_per_w)], idx_v)
        bufs = (buf0, buf1, buf2)
        gsems = (g0, g1, g2)
        wsems = (w0, w1, w2)

        def gather(c, buf, sem):
            pltpu.async_copy(src_hbm.at[idx_v.at[pl.ds(c * chunk, chunk)]],
                             buf, sem)

        def writeback(c, buf, sem):
            pltpu.async_copy(buf, out_hbm.at[pl.ds(base + c * chunk, chunk)],
                             sem)

        def wait_gather(buf, sem):
            pltpu.make_async_copy(src_hbm.at[pl.ds(0, chunk)], buf, sem).wait()

        def wait_writeback(buf, sem):
            pltpu.make_async_copy(buf, out_hbm.at[pl.ds(base, chunk)],
                                  sem).wait()

        gather(0, bufs[0], gsems[0])
        gather(1, bufs[1], gsems[1])
        for c in range(n_chunks):
            sl = c % 3
            if c >= 1 and c + 2 < n_chunks:
                sp = (c + 2) % 3
                wait_writeback(bufs[sp], wsems[sp])
                gather(c + 2, bufs[sp], gsems[sp])
            elif c == 0 and n_chunks > 2:
                gather(2, bufs[2], gsems[2])
            wait_gather(bufs[sl], gsems[sl])
            writeback(c, bufs[sl], wsems[sl])
        for c in range(max(0, n_chunks - 3), n_chunks):
            sl = c % 3
            wait_writeback(bufs[sl], wsems[sl])

    return k(src, idx)


def _grouped_matmul(x_pad, W, b, tile_expert):

    def mm_body(te_ref, x_ref, w_ref, b_ref, o_ref):
        o_ref[...] = (
            jnp.dot(x_ref[...], w_ref[0], preferred_element_type=jnp.float32)
            + b_ref[0]
        )

    grid_spec = pltpu.PrefetchScalarGridSpec(
        num_scalar_prefetch=1,
        grid=(N_TILES,),
        in_specs=[
            pl.BlockSpec((ROW_TILE, D_MODEL), lambda t, te: (t, 0)),
            pl.BlockSpec((1, D_MODEL, D_MODEL), lambda t, te: (te[t], 0, 0)),
            pl.BlockSpec((1, 1, D_MODEL), lambda t, te: (te[t], 0, 0)),
        ],
        out_specs=pl.BlockSpec((ROW_TILE, D_MODEL), lambda t, te: (t, 0)),
    )
    return pl.pallas_call(
        mm_body,
        grid_spec=grid_spec,
        out_shape=jax.ShapeDtypeStruct((N_PAD, D_MODEL), jnp.float32),
    )(tile_expert, x_pad, W, b.reshape(N_EXP, 1, D_MODEL))


def kernel(x, cell_dimensions, W, b):
    cd = cell_dimensions.astype(jnp.int32)

    onehot_t = (cd[None, :] == jnp.arange(N_EXP, dtype=jnp.int32)[:, None]
                ).astype(jnp.int32)
    cs = jnp.cumsum(onehot_t, axis=1)
    counts = cs[:, -1]
    padded = ((counts + ROW_TILE - 1) // ROW_TILE) * ROW_TILE
    padded_ends = jnp.cumsum(padded)
    offs_pad = padded_ends - padded
    dest_token = jnp.sum(onehot_t * (cs - 1 + offs_pad[:, None]), axis=0)
    dest_token = dest_token.astype(jnp.int32)
    tile_expert = jnp.minimum(
        (jnp.arange(N_TILES, dtype=jnp.int32)[:, None] * ROW_TILE
         >= padded_ends[None, :]).sum(1),
        N_EXP - 1).astype(jnp.int32)

    idx3 = dest_token.reshape(_NW, (N_TOK // _NW) // _CHUNK, _CHUNK)
    x_pad = _sc_scatter_rows(x, idx3, N_PAD)
    y_pad = _grouped_matmul(x_pad, W, b, tile_expert)
    out = _sc_gather_rows(y_pad, dest_token, N_TOK)
    return out

# --- scband reference (transcript-rebuilt; emitter-appended) ---
"""Pipeline reference for scband-multi-dimensional-module-2688649527599 (READ-ONLY COPY).

The authoritative reference and input builder live on the scoring server;
editing this copy changes nothing except your own understanding.
"""

import jax, jax.numpy as jnp
import numpy as np

D_MODEL = 1024
N_TOKENS = 8192
N_EXPERTS = 8  # max_dim + 1


def setup_inputs(seed: int = 0) -> dict:
    key = jax.random.key(seed)
    k1, k2, k3, k4 = jax.random.split(key, 4)
    x = jax.random.normal(k1, (N_TOKENS, D_MODEL), dtype=jnp.float32)
    cell_dimensions = jax.random.randint(k2, (N_TOKENS,), 0, N_EXPERTS)
    # One Linear(D_MODEL, D_MODEL) per dimension, stacked: W[i], b[i]
    W = jax.random.normal(k3, (N_EXPERTS, D_MODEL, D_MODEL), dtype=jnp.float32) * (1.0 / np.sqrt(D_MODEL))
    b = jax.random.normal(k4, (N_EXPERTS, D_MODEL), dtype=jnp.float32) * 0.01
    return {"x": x, "cell_dimensions": cell_dimensions, "W": W, "b": b}


def reference(x, cell_dimensions, W, b):
    # Faithful translation of MultiDimensionalModule.forward:
    # out[mask_i] = net_i(x[mask_i]) for each dimension i in 0..max_dim.
    # Dense-equivalent formulation (jit/shape friendly): compute each expert on all
    # tokens, then select per-token output by its dimension. Values are identical
    # to the masked-scatter torch version since every token matches exactly one i.
    n_experts = W.shape[0]
    out = jnp.zeros((x.shape[0], W.shape[2]), dtype=x.dtype)
    for i in range(n_experts):
        y = x @ W[i] + b[i]
        mask = (cell_dimensions == i)[:, None]
        out = jnp.where(mask, y, out)
    return out

if __name__ == "__main__":
    import jax
    _d = setup_inputs()
    print(jax.jit(kernel)(*tuple(_d.values())))

</pallas_src>

<mosaic_0001>
#map = affine_map<(d0, d1) -> (0, 0)>
#map1 = affine_map<(d0, d1) -> (0)>
module attributes {stable_mosaic.version = 14 : i64} {
  func.func @k(%arg0: i32, %arg1: i32, %arg2: memref<10240x1024xf32, #tpu.memory_space<hbm>>, %arg3: memref<8192xi32, #tpu.memory_space<hbm>>, %arg4: memref<8192x1024xf32, #tpu.memory_space<hbm>>, %arg5: memref<256xi32, #tpu.memory_space<vmem>>, %arg6: memref<32x1024xf32, #tpu.memory_space<vmem>>, %arg7: memref<32x1024xf32, #tpu.memory_space<vmem>>, %arg8: memref<32x1024xf32, #tpu.memory_space<vmem>>, %arg9: memref<!tpu.dma_semaphore, #tpu.memory_space<semaphore_mem>>, %arg10: memref<!tpu.dma_semaphore, #tpu.memory_space<semaphore_mem>>, %arg11: memref<!tpu.dma_semaphore, #tpu.memory_space<semaphore_mem>>, %arg12: memref<!tpu.dma_semaphore, #tpu.memory_space<semaphore_mem>>, %arg13: memref<!tpu.dma_semaphore, #tpu.memory_space<semaphore_mem>>, %arg14: memref<!tpu.dma_semaphore, #tpu.memory_space<semaphore_mem>>) attributes {dimension_semantics = [#tpu.dimension_semantics<core_parallel>, #tpu.dimension_semantics<subcore_parallel>], iteration_bounds = array<i64: 2, 16>, scalar_prefetch = 0 : i64, scratch_operands = 10 : i64, tpu.core_type = #tpu.core_type<sc_vector_subcore>, window_params = [{transform_indices = #map}, {transform_indices = #map1}, {transform_indices = #map}]} {
    %mul3A = arith.constant 2 : i32
    %mul3A_0 = arith.muli %arg1, %mul3A : i32
    %add3A = arith.addi %mul3A_0, %arg0 : i32
    %mul3A_1 = arith.constant 256 : i32
    %mul3A_2 = arith.muli %add3A, %mul3A_1 : i32
    "tpu.region"() ({
      %run_scoped3A = tpu.sem_alloc : memref<!tpu.dma_semaphore, #tpu.memory_space<semaphore_mem>>
      %dma_start3A_169 = tpu.memref_slice %arg3[%mul3A_2] : memref<8192xi32, #tpu.memory_space<hbm>> -> memref<256xi32, #tpu.memory_space<hbm>>
      %dma_start3A_170 = tpu.memref_slice %arg3[%mul3A_2] : memref<8192xi32, #tpu.memory_space<hbm>> -> memref<256xi32, #tpu.memory_space<hbm>>
      tpu.enqueue_dma source(%dma_start3A_170 : memref<256xi32, #tpu.memory_space<hbm>>) target(%arg5 : memref<256xi32, #tpu.memory_space<vmem>>) target_semaphore(%run_scoped3A : memref<!tpu.dma_semaphore, #tpu.memory_space<semaphore_mem>>)
      %dma_wait3A_171 = tpu.memref_slice %arg3[%mul3A_2] : memref<8192xi32, #tpu.memory_space<hbm>> -> memref<256xi32, #tpu.memory_space<hbm>>
      %dma_wait3A_172 = tpu.memref_slice %arg3[%mul3A_2] : memref<8192xi32, #tpu.memory_space<hbm>> -> memref<256xi32, #tpu.memory_space<hbm>>
      tpu.wait_dma2 semaphore(%run_scoped3A : memref<!tpu.dma_semaphore, #tpu.memory_space<semaphore_mem>>) src(%dma_wait3A_172 : memref<256xi32, #tpu.memory_space<hbm>>) dst(%arg5 : memref<256xi32, #tpu.memory_space<vmem>>)
      tpu.yield
    }) : () -> ()
    %dma_start3A = arith.constant 0 : i32
    %dma_start3A_3 = tpu.memref_slice %arg5[%dma_start3A] : memref<256xi32, #tpu.memory_space<vmem>> -> memref<32xi32, #tpu.memory_space<vmem>>
    %dma_start3A_4 = arith.constant 0 : i32
    %dma_start3A_5 = arith.constant 0 : i32
    %dma_start3A_6 = tpu.memref_slice %arg2[%dma_start3A_4, %dma_start3A_5] : memref<10240x1024xf32, #tpu.memory_space<hbm>> -> memref<10240x1024xf32, #tpu.memory_space<hbm>>
    tpu.enqueue_indirect_dma source(%dma_start3A_6 : memref<10240x1024xf32, #tpu.memory_space<hbm>>) target(%arg6 : memref<32x1024xf32, #tpu.memory_space<vmem>>) offsets(%dma_start3A_3 : memref<32xi32, #tpu.memory_space<vmem>>) semaphore(%arg9 : memref<!tpu.dma_semaphore, #tpu.memory_space<semaphore_mem>>)
    %dma_start3A_7 = arith.constant 32 : i32
    %dma_start3A_8 = tpu.memref_slice %arg5[%dma_start3A_7] : memref<256xi32, #tpu.memory_space<vmem>> -> memref<32xi32, #tpu.memory_space<vmem>>
    %dma_start3A_9 = arith.constant 0 : i32
    %dma_start3A_10 = arith.constant 0 : i32
    %dma_start3A_11 = tpu.memref_slice %arg2[%dma_start3A_9, %dma_start3A_10] : memref<10240x1024xf32, #tpu.memory_space<hbm>> -> memref<10240x1024xf32, #tpu.memory_space<hbm>>
    tpu.enqueue_indirect_dma source(%dma_start3A_11 : memref<10240x1024xf32, #tpu.memory_space<hbm>>) target(%arg7 : memref<32x1024xf32, #tpu.memory_space<vmem>>) offsets(%dma_start3A_8 : memref<32xi32, #tpu.memory_space<vmem>>) semaphore(%arg10 : memref<!tpu.dma_semaphore, #tpu.memory_space<semaphore_mem>>)
    %dma_start3A_12 = arith.constant 64 : i32
    %dma_start3A_13 = tpu.memref_slice %arg5[%dma_start3A_12] : memref<256xi32, #tpu.memory_space<vmem>> -> memref<32xi32, #tpu.memory_space<vmem>>
    %dma_start3A_14 = arith.constant 0 : i32
    %dma_start3A_15 = arith.constant 0 : i32
    %dma_start3A_16 = tpu.memref_slice %arg2[%dma_start3A_14, %dma_start3A_15] : memref<10240x1024xf32, #tpu.memory_space<hbm>> -> memref<10240x1024xf32, #tpu.memory_space<hbm>>
    tpu.enqueue_indirect_dma source(%dma_start3A_16 : memref<10240x1024xf32, #tpu.memory_space<hbm>>) target(%arg8 : memref<32x1024xf32, #tpu.memory_space<vmem>>) offsets(%dma_start3A_13 : memref<32xi32, #tpu.memory_space<vmem>>) semaphore(%arg11 : memref<!tpu.dma_semaphore, #tpu.memory_space<semaphore_mem>>)
    %dma_wait3A = arith.constant 0 : i32
    %dma_wait3A_17 = arith.constant 0 : i32
    %dma_wait3A_18 = tpu.memref_slice %arg2[%dma_wait3A, %dma_wait3A_17] : memref<10240x1024xf32, #tpu.memory_space<hbm>> -> memref<32x1024xf32, #tpu.memory_space<hbm>>
    %dma_wait3A_19 = arith.constant 0 : i32
    %dma_wait3A_20 = arith.constant 0 : i32
    %dma_wait3A_21 = tpu.memref_slice %arg2[%dma_wait3A_19, %dma_wait3A_20] : memref<10240x1024xf32, #tpu.memory_space<hbm>> -> memref<32x1024xf32, #tpu.memory_space<hbm>>
    tpu.wait_dma2 semaphore(%arg9 : memref<!tpu.dma_semaphore, #tpu.memory_space<semaphore_mem>>) src(%dma_wait3A_21 : memref<32x1024xf32, #tpu.memory_space<hbm>>) dst(%arg6 : memref<32x1024xf32, #tpu.memory_space<vmem>>)
    %add3A_22 = arith.constant 0 : i32
    %add3A_23 = arith.addi %mul3A_2, %add3A_22 : i32
    %dma_start3A_24 = arith.constant 0 : i32
    %dma_start3A_25 = tpu.memref_slice %arg4[%add3A_23, %dma_start3A_24] : memref<8192x1024xf32, #tpu.memory_space<hbm>> -> memref<32x1024xf32, #tpu.memory_space<hbm>>
    %dma_start3A_26 = arith.constant 0 : i32
    %dma_start3A_27 = tpu.memref_slice %arg4[%add3A_23, %dma_start3A_26] : memref<8192x1024xf32, #tpu.memory_space<hbm>> -> memref<32x1024xf32, #tpu.memory_space<hbm>>
    tpu.enqueue_dma source(%arg6 : memref<32x1024xf32, #tpu.memory_space<vmem>>) target(%dma_start3A_27 : memref<32x1024xf32, #tpu.memory_space<hbm>>) target_semaphore(%arg12 : memref<!tpu.dma_semaphore, #tpu.memory_space<semaphore_mem>>)
    %dma_wait3A_28 = arith.constant 0 : i32
    %dma_wait3A_29 = tpu.memref_slice %arg4[%mul3A_2, %dma_wait3A_28] : memref<8192x1024xf32, #tpu.memory_space<hbm>> -> memref<32x1024xf32, #tpu.memory_space<hbm>>
    %dma_wait3A_30 = arith.constant 0 : i32
    %dma_wait3A_31 = tpu.memref_slice %arg4[%mul3A_2, %dma_wait3A_30] : memref<8192x1024xf32, #tpu.memory_space<hbm>> -> memref<32x1024xf32, #tpu.memory_space<hbm>>
    tpu.wait_dma2 semaphore(%arg12 : memref<!tpu.dma_semaphore, #tpu.memory_space<semaphore_mem>>) src(%arg6 : memref<32x1024xf32, #tpu.memory_space<vmem>>) dst(%dma_wait3A_31 : memref<32x1024xf32, #tpu.memory_space<hbm>>)
    %dma_start3A_32 = arith.constant 96 : i32
    %dma_start3A_33 = tpu.memref_slice %arg5[%dma_start3A_32] : memref<256xi32, #tpu.memory_space<vmem>> -> memref<32xi32, #tpu.memory_space<vmem>>
    %dma_start3A_34 = arith.constant 0 : i32
    %dma_start3A_35 = arith.constant 0 : i32
    %dma_start3A_36 = tpu.memref_slice %arg2[%dma_start3A_34, %dma_start3A_35] : memref<10240x1024xf32, #tpu.memory_space<hbm>> -> memref<10240x1024xf32, #tpu.memory_space<hbm>>
    tpu.enqueue_indirect_dma source(%dma_start3A_36 : memref<10240x1024xf32, #tpu.memory_space<hbm>>) target(%arg6 : memref<32x1024xf32, #tpu.memory_space<vmem>>) offsets(%dma_start3A_33 : memref<32xi32, #tpu.memory_space<vmem>>) semaphore(%arg9 : memref<!tpu.dma_semaphore, #tpu.memory_space<semaphore_mem>>)
    %dma_wait3A_37 = arith.constant 0 : i32
    %dma_wait3A_38 = arith.constant 0 : i32
    %dma_wait3A_39 = tpu.memref_slice %arg2[%dma_wait3A_37, %dma_wait3A_38] : memref<10240x1024xf32, #tpu.memory_space<hbm>> -> memref<32x1024xf32, #tpu.memory_space<hbm>>
    %dma_wait3A_40 = arith.constant 0 : i32
    %dma_wait3A_41 = arith.constant 0 : i32
    %dma_wait3A_42 = tpu.memref_slice %arg2[%dma_wait3A_40, %dma_wait3A_41] : memref<10240x1024xf32, #tpu.memory_space<hbm>> -> memref<32x1024xf32, #tpu.memory_space<hbm>>
    tpu.wait_dma2 semaphore(%arg10 : memref<!tpu.dma_semaphore, #tpu.memory_space<semaphore_mem>>) src(%dma_wait3A_42 : memref<32x1024xf32, #tpu.memory_space<hbm>>) dst(%arg7 : memref<32x1024xf32, #tpu.memory_space<vmem>>)
    %add3A_43 = arith.constant 32 : i32
    %add3A_44 = arith.addi %mul3A_2, %add3A_43 : i32
    %dma_start3A_45 = arith.constant 0 : i32
    %dma_start3A_46 = tpu.memref_slice %arg4[%add3A_44, %dma_start3A_45] : memref<8192x1024xf32, #tpu.memory_space<hbm>> -> memref<32x1024xf32, #tpu.memory_space<hbm>>
    %dma_start3A_47 = arith.constant 0 : i32
    %dma_start3A_48 = tpu.memref_slice %arg4[%add3A_44, %dma_start3A_47] : memref<8192x1024xf32, #tpu.memory_space<hbm>> -> memref<32x1024xf32, #tpu.memory_space<hbm>>
    tpu.enqueue_dma source(%arg7 : memref<32x1024xf32, #tpu.memory_space<vmem>>) target(%dma_start3A_48 : memref<32x1024xf32, #tpu.memory_space<hbm>>) target_semaphore(%arg13 : memref<!tpu.dma_semaphore, #tpu.memory_space<semaphore_mem>>)
    %dma_wait3A_49 = arith.constant 0 : i32
    %dma_wait3A_50 = tpu.memref_slice %arg4[%mul3A_2, %dma_wait3A_49] : memref<8192x1024xf32, #tpu.memory_space<hbm>> -> memref<32x1024xf32, #tpu.memory_space<hbm>>
    %dma_wait3A_51 = arith.constant 0 : i32
    %dma_wait3A_52 = tpu.memref_slice %arg4[%mul3A_2, %dma_wait3A_51] : memref<8192x1024xf32, #tpu.memory_space<hbm>> -> memref<32x1024xf32, #tpu.memory_space<hbm>>
    tpu.wait_dma2 semaphore(%arg13 : memref<!tpu.dma_semaphore, #tpu.memory_space<semaphore_mem>>) src(%arg7 : memref<32x1024xf32, #tpu.memory_space<vmem>>) dst(%dma_wait3A_52 : memref<32x1024xf32, #tpu.memory_space<hbm>>)
    %dma_start3A_53 = arith.constant 128 : i32
    %dma_start3A_54 = tpu.memref_slice %arg5[%dma_start3A_53] : memref<256xi32, #tpu.memory_space<vmem>> -> memref<32xi32, #tpu.memory_space<vmem>>
    %dma_start3A_55 = arith.constant 0 : i32
    %dma_start3A_56 = arith.constant 0 : i32
    %dma_start3A_57 = tpu.memref_slice %arg2[%dma_start3A_55, %dma_start3A_56] : memref<10240x1024xf32, #tpu.memory_space<hbm>> -> memref<10240x1024xf32, #tpu.memory_space<hbm>>
    tpu.enqueue_indirect_dma source(%dma_start3A_57 : memref<10240x1024xf32, #tpu.memory_space<hbm>>) target(%arg7 : memref<32x1024xf32, #tpu.memory_space<vmem>>) offsets(%dma_start3A_54 : memref<32xi32, #tpu.memory_space<vmem>>) semaphore(%arg10 : memref<!tpu.dma_semaphore, #tpu.memory_space<semaphore_mem>>)
    %dma_wait3A_58 = arith.constant 0 : i32
    %dma_wait3A_59 = arith.constant 0 : i32
    %dma_wait3A_60 = tpu.memref_slice %arg2[%dma_wait3A_58, %dma_wait3A_59] : memref<10240x1024xf32, #tpu.memory_space<hbm>> -> memref<32x1024xf32, #tpu.memory_space<hbm>>
    %dma_wait3A_61 = arith.constant 0 : i32
    %dma_wait3A_62 = arith.constant 0 : i32
    %dma_wait3A_63 = tpu.memref_slice %arg2[%dma_wait3A_61, %dma_wait3A_62] : memref<10240x1024xf32, #tpu.memory_space<hbm>> -> memref<32x1024xf32, #tpu.memory_space<hbm>>
    tpu.wait_dma2 semaphore(%arg11 : memref<!tpu.dma_semaphore, #tpu.memory_space<semaphore_mem>>) src(%dma_wait3A_63 : memref<32x1024xf32, #tpu.memory_space<hbm>>) dst(%arg8 : memref<32x1024xf32, #tpu.memory_space<vmem>>)
    %add3A_64 = arith.constant 64 : i32
    %add3A_65 = arith.addi %mul3A_2, %add3A_64 : i32
    %dma_start3A_66 = arith.constant 0 : i32
    %dma_start3A_67 = tpu.memref_slice %arg4[%add3A_65, %dma_start3A_66] : memref<8192x1024xf32, #tpu.memory_space<hbm>> -> memref<32x1024xf32, #tpu.memory_space<hbm>>
    %dma_start3A_68 = arith.constant 0 : i32
    %dma_start3A_69 = tpu.memref_slice %arg4[%add3A_65, %dma_start3A_68] : memref<8192x1024xf32, #tpu.memory_space<hbm>> -> memref<32x1024xf32, #tpu.memory_space<hbm>>
    tpu.enqueue_dma source(%arg8 : memref<32x1024xf32, #tpu.memory_space<vmem>>) target(%dma_start3A_69 : memref<32x1024xf32, #tpu.memory_space<hbm>>) target_semaphore(%arg14 : memref<!tpu.dma_semaphore, #tpu.memory_space<semaphore_mem>>)
    %dma_wait3A_70 = arith.constant 0 : i32
    %dma_wait3A_71 = tpu.memref_slice %arg4[%mul3A_2, %dma_wait3A_70] : memref<8192x1024xf32, #tpu.memory_space<hbm>> -> memref<32x1024xf32, #tpu.memory_space<hbm>>
    %dma_wait3A_72 = arith.constant 0 : i32
    %dma_wait3A_73 = tpu.memref_slice %arg4[%mul3A_2, %dma_wait3A_72] : memref<8192x1024xf32, #tpu.memory_space<hbm>> -> memref<32x1024xf32, #tpu.memory_space<hbm>>
    tpu.wait_dma2 semaphore(%arg14 : memref<!tpu.dma_semaphore, #tpu.memory_space<semaphore_mem>>) src(%arg8 : memref<32x1024xf32, #tpu.memory_space<vmem>>) dst(%dma_wait3A_73 : memref<32x1024xf32, #tpu.memory_space<hbm>>)
    %dma_start3A_74 = arith.constant 160 : i32
    %dma_start3A_75 = tpu.memref_slice %arg5[%dma_start3A_74] : memref<256xi32, #tpu.memory_space<vmem>> -> memref<32xi32, #tpu.memory_space<vmem>>
    %dma_start3A_76 = arith.constant 0 : i32
    %dma_start3A_77 = arith.constant 0 : i32
    %dma_start3A_78 = tpu.memref_slice %arg2[%dma_start3A_76, %dma_start3A_77] : memref<10240x1024xf32, #tpu.memory_space<hbm>> -> memref<10240x1024xf32, #tpu.memory_space<hbm>>
    tpu.enqueue_indirect_dma source(%dma_start3A_78 : memref<10240x1024xf32, #tpu.memory_space<hbm>>) target(%arg8 : memref<32x1024xf32, #tpu.memory_space<vmem>>) offsets(%dma_start3A_75 : memref<32xi32, #tpu.memory_space<vmem>>) semaphore(%arg11 : memref<!tpu.dma_semaphore, #tpu.memory_space<semaphore_mem>>)
    %dma_wait3A_79 = arith.constant 0 : i32
    %dma_wait3A_80 = arith.constant 0 : i32
    %dma_wait3A_81 = tpu.memref_slice %arg2[%dma_wait3A_79, %dma_wait3A_80] : memref<10240x1024xf32, #tpu.memory_space<hbm>> -> memref<32x1024xf32, #tpu.memory_space<hbm>>
    %dma_wait3A_82 = arith.constant 0 : i32
    %dma_wait3A_83 = arith.constant 0 : i32
    %dma_wait3A_84 = tpu.memref_slice %arg2[%dma_wait3A_82, %dma_wait3A_83] : memref<10240x1024xf32, #tpu.memory_space<hbm>> -> memref<32x1024xf32, #tpu.memory_space<hbm>>
    tpu.wait_dma2 semaphore(%arg9 : memref<!tpu.dma_semaphore, #tpu.memory_space<semaphore_mem>>) src(%dma_wait3A_84 : memref<32x1024xf32, #tpu.memory_space<hbm>>) dst(%arg6 : memref<32x1024xf32, #tpu.memory_space<vmem>>)
    %add3A_85 = arith.constant 96 : i32
    %add3A_86 = arith.addi %mul3A_2, %add3A_85 : i32
    %dma_start3A_87 = arith.constant 0 : i32
    %dma_start3A_88 = tpu.memref_slice %arg4[%add3A_86, %dma_start3A_87] : memref<8192x1024xf32, #tpu.memory_space<hbm>> -> memref<32x1024xf32, #tpu.memory_space<hbm>>
    %dma_start3A_89 = arith.constant 0 : i32
    %dma_start3A_90 = tpu.memref_slice %arg4[%add3A_86, %dma_start3A_89] : memref<8192x1024xf32, #tpu.memory_space<hbm>> -> memref<32x1024xf32, #tpu.memory_space<hbm>>
    tpu.enqueue_dma source(%arg6 : memref<32x1024xf32, #tpu.memory_space<vmem>>) target(%dma_start3A_90 : memref<32x1024xf32, #tpu.memory_space<hbm>>) target_semaphore(%arg12 : memref<!tpu.dma_semaphore, #tpu.memory_space<semaphore_mem>>)
    %dma_wait3A_91 = arith.constant 0 : i32
    %dma_wait3A_92 = tpu.memref_slice %arg4[%mul3A_2, %dma_wait3A_91] : memref<8192x1024xf32, #tpu.memory_space<hbm>> -> memref<32x1024xf32, #tpu.memory_space<hbm>>
    %dma_wait3A_93 = arith.constant 0 : i32
    %dma_wait3A_94 = tpu.memref_slice %arg4[%mul3A_2, %dma_wait3A_93] : memref<8192x1024xf32, #tpu.memory_space<hbm>> -> memref<32x1024xf32, #tpu.memory_space<hbm>>
    tpu.wait_dma2 semaphore(%arg12 : memref<!tpu.dma_semaphore, #tpu.memory_space<semaphore_mem>>) src(%arg6 : memref<32x1024xf32, #tpu.memory_space<vmem>>) dst(%dma_wait3A_94 : memref<32x1024xf32, #tpu.memory_space<hbm>>)
    %dma_start3A_95 = arith.constant 192 : i32
    %dma_start3A_96 = tpu.memref_slice %arg5[%dma_start3A_95] : memref<256xi32, #tpu.memory_space<vmem>> -> memref<32xi32, #tpu.memory_space<vmem>>
    %dma_start3A_97 = arith.constant 0 : i32
    %dma_start3A_98 = arith.constant 0 : i32
    %dma_start3A_99 = tpu.memref_slice %arg2[%dma_start3A_97, %dma_start3A_98] : memref<10240x1024xf32, #tpu.memory_space<hbm>> -> memref<10240x1024xf32, #tpu.memory_space<hbm>>
    tpu.enqueue_indirect_dma source(%dma_start3A_99 : memref<10240x1024xf32, #tpu.memory_space<hbm>>) target(%arg6 : memref<32x1024xf32, #tpu.memory_space<vmem>>) offsets(%dma_start3A_96 : memref<32xi32, #tpu.memory_space<vmem>>) semaphore(%arg9 : memref<!tpu.dma_semaphore, #tpu.memory_space<semaphore_mem>>)
    %dma_wait3A_100 = arith.constant 0 : i32
    %dma_wait3A_101 = arith.constant 0 : i32
    %dma_wait3A_102 = tpu.memref_slice %arg2[%dma_wait3A_100, %dma_wait3A_101] : memref<10240x1024xf32, #tpu.memory_space<hbm>> -> memref<32x1024xf32, #tpu.memory_space<hbm>>
    %dma_wait3A_103 = arith.constant 0 : i32
    %dma_wait3A_104 = arith.constant 0 : i32
    %dma_wait3A_105 = tpu.memref_slice %arg2[%dma_wait3A_103, %dma_wait3A_104] : memref<10240x1024xf32, #tpu.memory_space<hbm>> -> memref<32x1024xf32, #tpu.memory_space<hbm>>
    tpu.wait_dma2 semaphore(%arg10 : memref<!tpu.dma_semaphore, #tpu.memory_space<semaphore_mem>>) src(%dma_wait3A_105 : memref<32x1024xf32, #tpu.memory_space<hbm>>) dst(%arg7 : memref<32x1024xf32, #tpu.memory_space<vmem>>)
    %add3A_106 = arith.constant 128 : i32
    %add3A_107 = arith.addi %mul3A_2, %add3A_106 : i32
    %dma_start3A_108 = arith.constant 0 : i32
    %dma_start3A_109 = tpu.memref_slice %arg4[%add3A_107, %dma_start3A_108] : memref<8192x1024xf32, #tpu.memory_space<hbm>> -> memref<32x1024xf32, #tpu.memory_space<hbm>>
    %dma_start3A_110 = arith.constant 0 : i32
    %dma_start3A_111 = tpu.memref_slice %arg4[%add3A_107, %dma_start3A_110] : memref<8192x1024xf32, #tpu.memory_space<hbm>> -> memref<32x1024xf32, #tpu.memory_space<hbm>>
    tpu.enqueue_dma source(%arg7 : memref<32x1024xf32, #tpu.memory_space<vmem>>) target(%dma_start3A_111 : memref<32x1024xf32, #tpu.memory_space<hbm>>) target_semaphore(%arg13 : memref<!tpu.dma_semaphore, #tpu.memory_space<semaphore_mem>>)
    %dma_wait3A_112 = arith.constant 0 : i32
    %dma_wait3A_113 = tpu.memref_slice %arg4[%mul3A_2, %dma_wait3A_112] : memref<8192x1024xf32, #tpu.memory_space<hbm>> -> memref<32x1024xf32, #tpu.memory_space<hbm>>
    %dma_wait3A_114 = arith.constant 0 : i32
    %dma_wait3A_115 = tpu.memref_slice %arg4[%mul3A_2, %dma_wait3A_114] : memref<8192x1024xf32, #tpu.memory_space<hbm>> -> memref<32x1024xf32, #tpu.memory_space<hbm>>
    tpu.wait_dma2 semaphore(%arg13 : memref<!tpu.dma_semaphore, #tpu.memory_space<semaphore_mem>>) src(%arg7 : memref<32x1024xf32, #tpu.memory_space<vmem>>) dst(%dma_wait3A_115 : memref<32x1024xf32, #tpu.memory_space<hbm>>)
    %dma_start3A_116 = arith.constant 224 : i32
    %dma_start3A_117 = tpu.memref_slice %arg5[%dma_start3A_116] : memref<256xi32, #tpu.memory_space<vmem>> -> memref<32xi32, #tpu.memory_space<vmem>>
    %dma_start3A_118 = arith.constant 0 : i32
    %dma_start3A_119 = arith.constant 0 : i32
    %dma_start3A_120 = tpu.memref_slice %arg2[%dma_start3A_118, %dma_start3A_119] : memref<10240x1024xf32, #tpu.memory_space<hbm>> -> memref<10240x1024xf32, #tpu.memory_space<hbm>>
    tpu.enqueue_indirect_dma source(%dma_start3A_120 : memref<10240x1024xf32, #tpu.memory_space<hbm>>) target(%arg7 : memref<32x1024xf32, #tpu.memory_space<vmem>>) offsets(%dma_start3A_117 : memref<32xi32, #tpu.memory_space<vmem>>) semaphore(%arg10 : memref<!tpu.dma_semaphore, #tpu.memory_space<semaphore_mem>>)
    %dma_wait3A_121 = arith.constant 0 : i32
    %dma_wait3A_122 = arith.constant 0 : i32
    %dma_wait3A_123 = tpu.memref_slice %arg2[%dma_wait3A_121, %dma_wait3A_122] : memref<10240x1024xf32, #tpu.memory_space<hbm>> -> memref<32x1024xf32, #tpu.memory_space<hbm>>
    %dma_wait3A_124 = arith.constant 0 : i32
    %dma_wait3A_125 = arith.constant 0 : i32
    %dma_wait3A_126 = tpu.memref_slice %arg2[%dma_wait3A_124, %dma_wait3A_125] : memref<10240x1024xf32, #tpu.memory_space<hbm>> -> memref<32x1024xf32, #tpu.memory_space<hbm>>
    tpu.wait_dma2 semaphore(%arg11 : memref<!tpu.dma_semaphore, #tpu.memory_space<semaphore_mem>>) src(%dma_wait3A_126 : memref<32x1024xf32, #tpu.memory_space<hbm>>) dst(%arg8 : memref<32x1024xf32, #tpu.memory_space<vmem>>)
    %add3A_127 = arith.constant 160 : i32
    %add3A_128 = arith.addi %mul3A_2, %add3A_127 : i32
    %dma_start3A_129 = arith.constant 0 : i32
    %dma_start3A_130 = tpu.memref_slice %arg4[%add3A_128, %dma_start3A_129] : memref<8192x1024xf32, #tpu.memory_space<hbm>> -> memref<32x1024xf32, #tpu.memory_space<hbm>>
    %dma_start3A_131 = arith.constant 0 : i32
    %dma_start3A_132 = tpu.memref_slice %arg4[%add3A_128, %dma_start3A_131] : memref<8192x1024xf32, #tpu.memory_space<hbm>> -> memref<32x1024xf32, #tpu.memory_space<hbm>>
    tpu.enqueue_dma source(%arg8 : memref<32x1024xf32, #tpu.memory_space<vmem>>) target(%dma_start3A_132 : memref<32x1024xf32, #tpu.memory_space<hbm>>) target_semaphore(%arg14 : memref<!tpu.dma_semaphore, #tpu.memory_space<semaphore_mem>>)
    %dma_wait3A_133 = arith.constant 0 : i32
    %dma_wait3A_134 = arith.constant 0 : i32
    %dma_wait3A_135 = tpu.memref_slice %arg2[%dma_wait3A_133, %dma_wait3A_134] : memref<10240x1024xf32, #tpu.memory_space<hbm>> -> memref<32x1024xf32, #tpu.memory_space<hbm>>
    %dma_wait3A_136 = arith.constant 0 : i32
    %dma_wait3A_137 = arith.constant 0 : i32
    %dma_wait3A_138 = tpu.memref_slice %arg2[%dma_wait3A_136, %dma_wait3A_137] : memref<10240x1024xf32, #tpu.memory_space<hbm>> -> memref<32x1024xf32, #tpu.memory_space<hbm>>
    tpu.wait_dma2 semaphore(%arg9 : memref<!tpu.dma_semaphore, #tpu.memory_space<semaphore_mem>>) src(%dma_wait3A_138 : memref<32x1024xf32, #tpu.memory_space<hbm>>) dst(%arg6 : memref<32x1024xf32, #tpu.memory_space<vmem>>)
    %add3A_139 = arith.constant 192 : i32
    %add3A_140 = arith.addi %mul3A_2, %add3A_139 : i32
    %dma_start3A_141 = arith.constant 0 : i32
    %dma_start3A_142 = tpu.memref_slice %arg4[%add3A_140, %dma_start3A_141] : memref<8192x1024xf32, #tpu.memory_space<hbm>> -> memref<32x1024xf32, #tpu.memory_space<hbm>>
    %dma_start3A_143 = arith.constant 0 : i32
    %dma_start3A_144 = tpu.memref_slice %arg4[%add3A_140, %dma_start3A_143] : memref<8192x1024xf32, #tpu.memory_space<hbm>> -> memref<32x1024xf32, #tpu.memory_space<hbm>>
    tpu.enqueue_dma source(%arg6 : memref<32x1024xf32, #tpu.memory_space<vmem>>) target(%dma_start3A_144 : memref<32x1024xf32, #tpu.memory_space<hbm>>) target_semaphore(%arg12 : memref<!tpu.dma_semaphore, #tpu.memory_space<semaphore_mem>>)
    %dma_wait3A_145 = arith.constant 0 : i32
    %dma_wait3A_146 = arith.constant 0 : i32
    %dma_wait3A_147 = tpu.memref_slice %arg2[%dma_wait3A_145, %dma_wait3A_146] : memref<10240x1024xf32, #tpu.memory_space<hbm>> -> memref<32x1024xf32, #tpu.memory_space<hbm>>
    %dma_wait3A_148 = arith.constant 0 : i32
    %dma_wait3A_149 = arith.constant 0 : i32
    %dma_wait3A_150 = tpu.memref_slice %arg2[%dma_wait3A_148, %dma_wait3A_149] : memref<10240x1024xf32, #tpu.memory_space<hbm>> -> memref<32x1024xf32, #tpu.memory_space<hbm>>
    tpu.wait_dma2 semaphore(%arg10 : memref<!tpu.dma_semaphore, #tpu.memory_space<semaphore_mem>>) src(%dma_wait3A_150 : memref<32x1024xf32, #tpu.memory_space<hbm>>) dst(%arg7 : memref<32x1024xf32, #tpu.memory_space<vmem>>)
    %add3A_151 = arith.constant 224 : i32
    %add3A_152 = arith.addi %mul3A_2, %add3A_151 : i32
    %dma_start3A_153 = arith.constant 0 : i32
    %dma_start3A_154 = tpu.memref_slice %arg4[%add3A_152, %dma_start3A_153] : memref<8192x1024xf32, #tpu.memory_space<hbm>> -> memref<32x1024xf32, #tpu.memory_space<hbm>>
    %dma_start3A_155 = arith.constant 0 : i32
    %dma_start3A_156 = tpu.memref_slice %arg4[%add3A_152, %dma_start3A_155] : memref<8192x1024xf32, #tpu.memory_space<hbm>> -> memref<32x1024xf32, #tpu.memory_space<hbm>>
    tpu.enqueue_dma source(%arg7 : memref<32x1024xf32, #tpu.memory_space<vmem>>) target(%dma_start3A_156 : memref<32x1024xf32, #tpu.memory_space<hbm>>) target_semaphore(%arg13 : memref<!tpu.dma_semaphore, #tpu.memory_space<semaphore_mem>>)
    %dma_wait3A_157 = arith.constant 0 : i32
    %dma_wait3A_158 = tpu.memref_slice %arg4[%mul3A_2, %dma_wait3A_157] : memref<8192x1024xf32, #tpu.memory_space<hbm>> -> memref<32x1024xf32, #tpu.memory_space<hbm>>
    %dma_wait3A_159 = arith.constant 0 : i32
    %dma_wait3A_160 = tpu.memref_slice %arg4[%mul3A_2, %dma_wait3A_159] : memref<8192x1024xf32, #tpu.memory_space<hbm>> -> memref<32x1024xf32, #tpu.memory_space<hbm>>
    tpu.wait_dma2 semaphore(%arg14 : memref<!tpu.dma_semaphore, #tpu.memory_space<semaphore_mem>>) src(%arg8 : memref<32x1024xf32, #tpu.memory_space<vmem>>) dst(%dma_wait3A_160 : memref<32x1024xf32, #tpu.memory_space<hbm>>)
    %dma_wait3A_161 = arith.constant 0 : i32
    %dma_wait3A_162 = tpu.memref_slice %arg4[%mul3A_2, %dma_wait3A_161] : memref<8192x1024xf32, #tpu.memory_space<hbm>> -> memref<32x1024xf32, #tpu.memory_space<hbm>>
    %dma_wait3A_163 = arith.constant 0 : i32
    %dma_wait3A_164 = tpu.memref_slice %arg4[%mul3A_2, %dma_wait3A_163] : memref<8192x1024xf32, #tpu.memory_space<hbm>> -> memref<32x1024xf32, #tpu.memory_space<hbm>>
    tpu.wait_dma2 semaphore(%arg12 : memref<!tpu.dma_semaphore, #tpu.memory_space<semaphore_mem>>) src(%arg6 : memref<32x1024xf32, #tpu.memory_space<vmem>>) dst(%dma_wait3A_164 : memref<32x1024xf32, #tpu.memory_space<hbm>>)
    %dma_wait3A_165 = arith.constant 0 : i32
    %dma_wait3A_166 = tpu.memref_slice %arg4[%mul3A_2, %dma_wait3A_165] : memref<8192x1024xf32, #tpu.memory_space<hbm>> -> memref<32x1024xf32, #tpu.memory_space<hbm>>
    %dma_wait3A_167 = arith.constant 0 : i32
    %dma_wait3A_168 = tpu.memref_slice %arg4[%mul3A_2, %dma_wait3A_167] : memref<8192x1024xf32, #tpu.memory_space<hbm>> -> memref<32x1024xf32, #tpu.memory_space<hbm>>
    tpu.wait_dma2 semaphore(%arg13 : memref<!tpu.dma_semaphore, #tpu.memory_space<semaphore_mem>>) src(%arg7 : memref<32x1024xf32, #tpu.memory_space<vmem>>) dst(%dma_wait3A_168 : memref<32x1024xf32, #tpu.memory_space<hbm>>)
    return
  }
}

#map = affine_map<(d0, d1) -> (0, 0)>
#map1 = affine_map<(d0, d1) -> (0, 0, 0)>
module attributes {stable_mosaic.version = 14 : i64} {
  func.func @k(%arg0: i32, %arg1: i32, %arg2: memref<8192x1024xf32, #tpu.memory_space<hbm>>, %arg3: memref<32x8x32xi32, #tpu.memory_space<hbm>>, %arg4: memref<10240x1024xf32, #tpu.memory_space<hbm>>, %arg5: memref<8x32xi32, #tpu.memory_space<vmem>>, %arg6: memref<32x1024xf32, #tpu.memory_space<vmem>>, %arg7: memref<32x1024xf32, #tpu.memory_space<vmem>>, %arg8: memref<32x1024xf32, #tpu.memory_space<vmem>>, %arg9: memref<!tpu.dma_semaphore, #tpu.memory_space<semaphore_mem>>, %arg10: memref<!tpu.dma_semaphore, #tpu.memory_space<semaphore_mem>>, %arg11: memref<!tpu.dma_semaphore, #tpu.memory_space<semaphore_mem>>, %arg12: memref<!tpu.dma_semaphore, #tpu.memory_space<semaphore_mem>>, %arg13: memref<!tpu.dma_semaphore, #tpu.memory_space<semaphore_mem>>, %arg14: memref<!tpu.dma_semaphore, #tpu.memory_space<semaphore_mem>>) attributes {dimension_semantics = [#tpu.dimension_semantics<core_parallel>, #tpu.dimension_semantics<subcore_parallel>], iteration_bounds = array<i64: 2, 16>, scalar_prefetch = 0 : i64, scratch_operands = 10 : i64, tpu.core_type = #tpu.core_type<sc_vector_subcore>, window_params = [{transform_indices = #map}, {transform_indices = #map1}, {transform_indices = #map}]} {
    %mul3A = arith.constant 2 : i32
    %mul3A_0 = arith.muli %arg1, %mul3A : i32
    %add3A = arith.addi %mul3A_0, %arg0 : i32
    %mul3A_1 = arith.constant 256 : i32
    %mul3A_2 = arith.muli %add3A, %mul3A_1 : i32
    "tpu.region"() ({
      %run_scoped3A = tpu.sem_alloc : memref<!tpu.dma_semaphore, #tpu.memory_space<semaphore_mem>>
      %dma_start3A_201 = arith.constant 0 : i32
      %dma_start3A_202 = arith.constant 0 : i32
      %dma_start3A_203 = tpu.memref_slice %arg3[%add3A, %dma_start3A_201, %dma_start3A_202] : memref<32x8x32xi32, #tpu.memory_space<hbm>> -> memref<1x8x32xi32, #tpu.memory_space<hbm>>
      %dma_start3A_204 = tpu.memref_squeeze %dma_start3A_203 : memref<1x8x32xi32, #tpu.memory_space<hbm>> -> memref<8x32xi32, #tpu.memory_space<hbm>>
      %dma_start3A_205 = arith.constant 0 : i32
      %dma_start3A_206 = arith.constant 0 : i32
      %dma_start3A_207 = tpu.memref_slice %arg3[%add3A, %dma_start3A_205, %dma_start3A_206] : memref<32x8x32xi32, #tpu.memory_space<hbm>> -> memref<1x8x32xi32, #tpu.memory_space<hbm>>
      %dma_start3A_208 = tpu.memref_squeeze %dma_start3A_207 : memref<1x8x32xi32, #tpu.memory_space<hbm>> -> memref<8x32xi32, #tpu.memory_space<hbm>>
      tpu.enqueue_dma source(%dma_start3A_208 : memref<8x32xi32, #tpu.memory_space<hbm>>) target(%arg5 : memref<8x32xi32, #tpu.memory_space<vmem>>) target_semaphore(%run_scoped3A : memref<!tpu.dma_semaphore, #tpu.memory_space<semaphore_mem>>)
      %dma_wait3A_209 = arith.constant 0 : i32
      %dma_wait3A_210 = arith.constant 0 : i32
      %dma_wait3A_211 = tpu.memref_slice %arg3[%add3A, %dma_wait3A_209, %dma_wait3A_210] : memref<32x8x32xi32, #tpu.memory_space<hbm>> -> memref<1x8x32xi32, #tpu.memory_space<hbm>>
      %dma_wait3A_212 = tpu.memref_squeeze %dma_wait3A_211 : memref<1x8x32xi32, #tpu.memory_space<hbm>> -> memref<8x32xi32, #tpu.memory_space<hbm>>
      %dma_wait3A_213 = arith.constant 0 : i32
      %dma_wait3A_214 = arith.constant 0 : i32
      %dma_wait3A_215 = tpu.memref_slice %arg3[%add3A, %dma_wait3A_213, %dma_wait3A_214] : memref<32x8x32xi32, #tpu.memory_space<hbm>> -> memref<1x8x32xi32, #tpu.memory_space<hbm>>
      %dma_wait3A_216 = tpu.memref_squeeze %dma_wait3A_215 : memref<1x8x32xi32, #tpu.memory_space<hbm>> -> memref<8x32xi32, #tpu.memory_space<hbm>>
      tpu.wait_dma2 semaphore(%run_scoped3A : memref<!tpu.dma_semaphore, #tpu.memory_space<semaphore_mem>>) src(%dma_wait3A_216 : memref<8x32xi32, #tpu.memory_space<hbm>>) dst(%arg5 : memref<8x32xi32, #tpu.memory_space<vmem>>)
      tpu.yield
    }) : () -> ()
    %add3A_3 = arith.constant 0 : i32
    %add3A_4 = arith.addi %mul3A_2, %add3A_3 : i32
    %dma_start3A = arith.constant 0 : i32
    %dma_start3A_5 = tpu.memref_slice %arg2[%add3A_4, %dma_start3A] : memref<8192x1024xf32, #tpu.memory_space<hbm>> -> memref<32x1024xf32, #tpu.memory_space<hbm>>
    %dma_start3A_6 = arith.constant 0 : i32
    %dma_start3A_7 = tpu.memref_slice %arg2[%add3A_4, %dma_start3A_6] : memref<8192x1024xf32, #tpu.memory_space<hbm>> -> memref<32x1024xf32, #tpu.memory_space<hbm>>
    tpu.enqueue_dma source(%dma_start3A_7 : memref<32x1024xf32, #tpu.memory_space<hbm>>) target(%arg6 : memref<32x1024xf32, #tpu.memory_space<vmem>>) target_semaphore(%arg9 : memref<!tpu.dma_semaphore, #tpu.memory_space<semaphore_mem>>)
    %add3A_8 = arith.constant 32 : i32
    %add3A_9 = arith.addi %mul3A_2, %add3A_8 : i32
    %dma_start3A_10 = arith.constant 0 : i32
    %dma_start3A_11 = tpu.memref_slice %arg2[%add3A_9, %dma_start3A_10] : memref<8192x1024xf32, #tpu.memory_space<hbm>> -> memref<32x1024xf32, #tpu.memory_space<hbm>>
    %dma_start3A_12 = arith.constant 0 : i32
    %dma_start3A_13 = tpu.memref_slice %arg2[%add3A_9, %dma_start3A_12] : memref<8192x1024xf32, #tpu.memory_space<hbm>> -> memref<32x1024xf32, #tpu.memory_space<hbm>>
    tpu.enqueue_dma source(%dma_start3A_13 : memref<32x1024xf32, #tpu.memory_space<hbm>>) target(%arg7 : memref<32x1024xf32, #tpu.memory_space<vmem>>) target_semaphore(%arg10 : memref<!tpu.dma_semaphore, #tpu.memory_space<semaphore_mem>>)
    %add3A_14 = arith.constant 64 : i32
    %add3A_15 = arith.addi %mul3A_2, %add3A_14 : i32
    %dma_start3A_16 = arith.constant 0 : i32
    %dma_start3A_17 = tpu.memref_slice %arg2[%add3A_15, %dma_start3A_16] : memref<8192x1024xf32, #tpu.memory_space<hbm>> -> memref<32x1024xf32, #tpu.memory_space<hbm>>
    %dma_start3A_18 = arith.constant 0 : i32
    %dma_start3A_19 = tpu.memref_slice %arg2[%add3A_15, %dma_start3A_18] : memref<8192x1024xf32, #tpu.memory_space<hbm>> -> memref<32x1024xf32, #tpu.memory_space<hbm>>
    tpu.enqueue_dma source(%dma_start3A_19 : memref<32x1024xf32, #tpu.memory_space<hbm>>) target(%arg8 : memref<32x1024xf32, #tpu.memory_space<vmem>>) target_semaphore(%arg11 : memref<!tpu.dma_semaphore, #tpu.memory_space<semaphore_mem>>)
    %dma_wait3A = arith.constant 0 : i32
    %dma_wait3A_20 = arith.constant 0 : i32
    %dma_wait3A_21 = tpu.memref_slice %arg2[%dma_wait3A, %dma_wait3A_20] : memref<8192x1024xf32, #tpu.memory_space<hbm>> -> memref<32x1024xf32, #tpu.memory_space<hbm>>
    %dma_wait3A_22 = arith.constant 0 : i32
    %dma_wait3A_23 = arith.constant 0 : i32
    %dma_wait3A_24 = tpu.memref_slice %arg2[%dma_wait3A_22, %dma_wait3A_23] : memref<8192x1024xf32, #tpu.memory_space<hbm>> -> memref<32x1024xf32, #tpu.memory_space<hbm>>
    tpu.wait_dma2 semaphore(%arg9 : memref<!tpu.dma_semaphore, #tpu.memory_space<semaphore_mem>>) src(%dma_wait3A_24 : memref<32x1024xf32, #tpu.memory_space<hbm>>) dst(%arg6 : memref<32x1024xf32, #tpu.memory_space<vmem>>)
    %dma_start3A_25 = arith.constant 0 : i32
    %dma_start3A_26 = arith.constant 0 : i32
    %dma_start3A_27 = tpu.memref_slice %arg5[%dma_start3A_25, %dma_start3A_26] : memref<8x32xi32, #tpu.memory_space<vmem>> -> memref<1x32xi32, #tpu.memory_space<vmem>>
    %dma_start3A_28 = tpu.memref_squeeze %dma_start3A_27 : memref<1x32xi32, #tpu.memory_space<vmem>> -> memref<32xi32, #tpu.memory_space<vmem>>
    %dma_start3A_29 = arith.constant 0 : i32
    %dma_start3A_30 = arith.constant 0 : i32
    %dma_start3A_31 = tpu.memref_slice %arg4[%dma_start3A_29, %dma_start3A_30] : memref<10240x1024xf32, #tpu.memory_space<hbm>> -> memref<10240x1024xf32, #tpu.memory_space<hbm>>
    tpu.enqueue_indirect_dma source(%arg6 : memref<32x1024xf32, #tpu.memory_space<vmem>>) target(%dma_start3A_31 : memref<10240x1024xf32, #tpu.memory_space<hbm>>) offsets(%dma_start3A_28 : memref<32xi32, #tpu.memory_space<vmem>>) semaphore(%arg12 : memref<!tpu.dma_semaphore, #tpu.memory_space<semaphore_mem>>)
    %dma_wait3A_32 = arith.constant 0 : i32
    %dma_wait3A_33 = arith.constant 0 : i32
    %dma_wait3A_34 = tpu.memref_slice %arg4[%dma_wait3A_32, %dma_wait3A_33] : memref<10240x1024xf32, #tpu.memory_space<hbm>> -> memref<32x1024xf32, #tpu.memory_space<hbm>>
    %dma_wait3A_35 = arith.constant 0 : i32
    %dma_wait3A_36 = arith.constant 0 : i32
    %dma_wait3A_37 = tpu.memref_slice %arg4[%dma_wait3A_35, %dma_wait3A_36] : memref<10240x1024xf32, #tpu.memory_space<hbm>> -> memref<32x1024xf32, #tpu.memory_space<hbm>>
    tpu.wait_dma2 semaphore(%arg12 : memref<!tpu.dma_semaphore, #tpu.memory_space<semaphore_mem>>) src(%arg6 : memref<32x1024xf32, #tpu.memory_space<vmem>>) dst(%dma_wait3A_37 : memref<32x1024xf32, #tpu.memory_space<hbm>>)
    %add3A_38 = arith.constant 96 : i32
    %add3A_39 = arith.addi %mul3A_2, %add3A_38 : i32
    %dma_start3A_40 = arith.constant 0 : i32
    %dma_start3A_41 = tpu.memref_slice %arg2[%add3A_39, %dma_start3A_40] : memref<8192x1024xf32, #tpu.memory_space<hbm>> -> memref<32x1024xf32, #tpu.memory_space<hbm>>
    %dma_start3A_42 = arith.constant 0 : i32
    %dma_start3A_43 = tpu.memref_slice %arg2[%add3A_39, %dma_start3A_42] : memref<8192x1024xf32, #tpu.memory_space<hbm>> -> memref<32x1024xf32, #tpu.memory_space<hbm>>
    tpu.enqueue_dma source(%dma_start3A_43 : memref<32x1024xf32, #tpu.memory_space<hbm>>) target(%arg6 : memref<32x1024xf32, #tpu.memory_space<vmem>>) target_semaphore(%arg9 : memref<!tpu.dma_semaphore, #tpu.memory_space<semaphore_mem>>)
    %dma_wait3A_44 = arith.constant 0 : i32
    %dma_wait3A_45 = arith.constant 0 : i32
    %dma_wait3A_46 = tpu.memref_slice %arg2[%dma_wait3A_44, %dma_wait3A_45] : memref<8192x1024xf32, #tpu.memory_space<hbm>> -> memref<32x1024xf32, #tpu.memory_space<hbm>>
    %dma_wait3A_47 = arith.constant 0 : i32
    %dma_wait3A_48 = arith.constant 0 : i32
    %dma_wait3A_49 = tpu.memref_slice %arg2[%dma_wait3A_47, %dma_wait3A_48] : memref<8192x1024xf32, #tpu.memory_space<hbm>> -> memref<32x1024xf32, #tpu.memory_space<hbm>>
    tpu.wait_dma2 semaphore(%arg10 : memref<!tpu.dma_semaphore, #tpu.memory_space<semaphore_mem>>) src(%dma_wait3A_49 : memref<32x1024xf32, #tpu.memory_space<hbm>>) dst(%arg7 : memref<32x1024xf32, #tpu.memory_space<vmem>>)
    %dma_start3A_50 = arith.constant 1 : i32
    %dma_start3A_51 = arith.constant 0 : i32
    %dma_start3A_52 = tpu.memref_slice %arg5[%dma_start3A_50, %dma_start3A_51] : memref<8x32xi32, #tpu.memory_space<vmem>> -> memref<1x32xi32, #tpu.memory_space<vmem>>
    %dma_start3A_53 = tpu.memref_squeeze %dma_start3A_52 : memref<1x32xi32, #tpu.memory_space<vmem>> -> memref<32xi32, #tpu.memory_space<vmem>>
    %dma_start3A_54 = arith.constant 0 : i32
    %dma_start3A_55 = arith.constant 0 : i32
    %dma_start3A_56 = tpu.memref_slice %arg4[%dma_start3A_54, %dma_start3A_55] : memref<10240x1024xf32, #tpu.memory_space<hbm>> -> memref<10240x1024xf32, #tpu.memory_space<hbm>>
    tpu.enqueue_indirect_dma source(%arg7 : memref<32x1024xf32, #tpu.memory_space<vmem>>) target(%dma_start3A_56 : memref<10240x1024xf32, #tpu.memory_space<hbm>>) offsets(%dma_start3A_53 : memref<32xi32, #tpu.memory_space<vmem>>) semaphore(%arg13 : memref<!tpu.dma_semaphore, #tpu.memory_space<semaphore_mem>>)
    %dma_wait3A_57 = arith.constant 0 : i32
    %dma_wait3A_58 = arith.constant 0 : i32
    %dma_wait3A_59 = tpu.memref_slice %arg4[%dma_wait3A_57, %dma_wait3A_58] : memref<10240x1024xf32, #tpu.memory_space<hbm>> -> memref<32x1024xf32, #tpu.memory_space<hbm>>
    %dma_wait3A_60 = arith.constant 0 : i32
    %dma_wait3A_61 = arith.constant 0 : i32
    %dma_wait3A_62 = tpu.memref_slice %arg4[%dma_wait3A_60, %dma_wait3A_61] : memref<10240x1024xf32, #tpu.memory_space<hbm>> -> memref<32x1024xf32, #tpu.memory_space<hbm>>
    tpu.wait_dma2 semaphore(%arg13 : memref<!tpu.dma_semaphore, #tpu.memory_space<semaphore_mem>>) src(%arg7 : memref<32x1024xf32, #tpu.memory_space<vmem>>) dst(%dma_wait3A_62 : memref<32x1024xf32, #tpu.memory_space<hbm>>)
    %add3A_63 = arith.constant 128 : i32
    %add3A_64 = arith.addi %mul3A_2, %add3A_63 : i32
    %dma_start3A_65 = arith.constant 0 : i32
    %dma_start3A_66 = tpu.memref_slice %arg2[%add3A_64, %dma_start3A_65] : memref<8192x1024xf32, #tpu.memory_space<hbm>> -> memref<32x1024xf32, #tpu.memory_space<hbm>>
    %dma_start3A_67 = arith.constant 0 : i32
    %dma_start3A_68 = tpu.memref_slice %arg2[%add3A_64, %dma_start3A_67] : memref<8192x1024xf32, #tpu.memory_space<hbm>> -> memref<32x1024xf32, #tpu.memory_space<hbm>>
    tpu.enqueue_dma source(%dma_start3A_68 : memref<32x1024xf32, #tpu.memory_space<hbm>>) target(%arg7 : memref<32x1024xf32, #tpu.memory_space<vmem>>) target_semaphore(%arg10 : memref<!tpu.dma_semaphore, #tpu.memory_space<semaphore_mem>>)
    %dma_wait3A_69 = arith.constant 0 : i32
    %dma_wait3A_70 = arith.constant 0 : i32
    %dma_wait3A_71 = tpu.memref_slice %arg2[%dma_wait3A_69, %dma_wait3A_70] : memref<8192x1024xf32, #tpu.memory_space<hbm>> -> memref<32x1024xf32, #tpu.memory_space<hbm>>
    %dma_wait3A_72 = arith.constant 0 : i32
    %dma_wait3A_73 = arith.constant 0 : i32
    %dma_wait3A_74 = tpu.memref_slice %arg2[%dma_wait3A_72, %dma_wait3A_73] : memref<8192x1024xf32, #tpu.memory_space<hbm>> -> memref<32x1024xf32, #tpu.memory_space<hbm>>
    tpu.wait_dma2 semaphore(%arg11 : memref<!tpu.dma_semaphore, #tpu.memory_space<semaphore_mem>>) src(%dma_wait3A_74 : memref<32x1024xf32, #tpu.memory_space<hbm>>) dst(%arg8 : memref<32x1024xf32, #tpu.memory_space<vmem>>)
    %dma_start3A_75 = arith.constant 2 : i32
    %dma_start3A_76 = arith.constant 0 : i32
    %dma_start3A_77 = tpu.memref_slice %arg5[%dma_start3A_75, %dma_start3A_76] : memref<8x32xi32, #tpu.memory_space<vmem>> -> memref<1x32xi32, #tpu.memory_space<vmem>>
    %dma_start3A_78 = tpu.memref_squeeze %dma_start3A_77 : memref<1x32xi32, #tpu.memory_space<vmem>> -> memref<32xi32, #tpu.memory_space<vmem>>
    %dma_start3A_79 = arith.constant 0 : i32
    %dma_start3A_80 = arith.constant 0 : i32
    %dma_start3A_81 = tpu.memref_slice %arg4[%dma_start3A_79, %dma_start3A_80] : memref<10240x1024xf32, #tpu.memory_space<hbm>> -> memref<10240x1024xf32, #tpu.memory_space<hbm>>
    tpu.enqueue_indirect_dma source(%arg8 : memref<32x1024xf32, #tpu.memory_space<vmem>>) target(%dma_start3A_81 : memref<10240x1024xf32, #tpu.memory_space<hbm>>) offsets(%dma_start3A_78 : memref<32xi32, #tpu.memory_space<vmem>>) semaphore(%arg14 : memref<!tpu.dma_semaphore, #tpu.memory_space<semaphore_mem>>)
    %dma_wait3A_82 = arith.constant 0 : i32
    %dma_wait3A_83 = arith.constant 0 : i32
    %dma_wait3A_84 = tpu.memref_slice %arg4[%dma_wait3A_82, %dma_wait3A_83] : memref<10240x1024xf32, #tpu.memory_space<hbm>> -> memref<32x1024xf32, #tpu.memory_space<hbm>>
    %dma_wait3A_85 = arith.constant 0 : i32
    %dma_wait3A_86 = arith.constant 0 : i32
    %dma_wait3A_87 = tpu.memref_slice %arg4[%dma_wait3A_85, %dma_wait3A_86] : memref<10240x1024xf32, #tpu.memory_space<hbm>> -> memref<32x1024xf32, #tpu.memory_space<hbm>>
    tpu.wait_dma2 semaphore(%arg14 : memref<!tpu.dma_semaphore, #tpu.memory_space<semaphore_mem>>) src(%arg8 : memref<32x1024xf32, #tpu.memory_space<vmem>>) dst(%dma_wait3A_87 : memref<32x1024xf32, #tpu.memory_space<hbm>>)
    %add3A_88 = arith.constant 160 : i32
    %add3A_89 = arith.addi %mul3A_2, %add3A_88 : i32
    %dma_start3A_90 = arith.constant 0 : i32
    %dma_start3A_91 = tpu.memref_slice %arg2[%add3A_89, %dma_start3A_90] : memref<8192x1024xf32, #tpu.memory_space<hbm>> -> memref<32x1024xf32, #tpu.memory_space<hbm>>
    %dma_start3A_92 = arith.constant 0 : i32
    %dma_start3A_93 = tpu.memref_slice %arg2[%add3A_89, %dma_start3A_92] : memref<8192x1024xf32, #tpu.memory_space<hbm>> -> memref<32x1024xf32, #tpu.memory_space<hbm>>
    tpu.enqueue_dma source(%dma_start3A_93 : memref<32x1024xf32, #tpu.memory_space<hbm>>) target(%arg8 : memref<32x1024xf32, #tpu.memory_space<vmem>>) target_semaphore(%arg11 : memref<!tpu.dma_semaphore, #tpu.memory_space<semaphore_mem>>)
    %dma_wait3A_94 = arith.constant 0 : i32
    %dma_wait3A_95 = arith.constant 0 : i32
    %dma_wait3A_96 = tpu.memref_slice %arg2[%dma_wait3A_94, %dma_wait3A_95] : memref<8192x1024xf32, #tpu.memory_space<hbm>> -> memref<32x1024xf32, #tpu.memory_space<hbm>>
    %dma_wait3A_97 = arith.constant 0 : i32
    %dma_wait3A_98 = arith.constant 0 : i32
    %dma_wait3A_99 = tpu.memref_slice %arg2[%dma_wait3A_97, %dma_wait3A_98] : memref<8192x1024xf32, #tpu.memory_space<hbm>> -> memref<32x1024xf32, #tpu.memory_space<hbm>>
    tpu.wait_dma2 semaphore(%arg9 : memref<!tpu.dma_semaphore, #tpu.memory_space<semaphore_mem>>) src(%dma_wait3A_99 : memref<32x1024xf32, #tpu.memory_space<hbm>>) dst(%arg6 : memref<32x1024xf32, #tpu.memory_space<vmem>>)
    %dma_start3A_100 = arith.constant 3 : i32
    %dma_start3A_101 = arith.constant 0 : i32
    %dma_start3A_102 = tpu.memref_slice %arg5[%dma_start3A_100, %dma_start3A_101] : memref<8x32xi32, #tpu.memory_space<vmem>> -> memref<1x32xi32, #tpu.memory_space<vmem>>
    %dma_start3A_103 = tpu.memref_squeeze %dma_start3A_102 : memref<1x32xi32, #tpu.memory_space<vmem>> -> memref<32xi32, #tpu.memory_space<vmem>>
    %dma_start3A_104 = arith.constant 0 : i32
    %dma_start3A_105 = arith.constant 0 : i32
    %dma_start3A_106 = tpu.memref_slice %arg4[%dma_start3A_104, %dma_start3A_105] : memref<10240x1024xf32, #tpu.memory_space<hbm>> -> memref<10240x1024xf32, #tpu.memory_space<hbm>>
    tpu.enqueue_indirect_dma source(%arg6 : memref<32x1024xf32, #tpu.memory_space<vmem>>) target(%dma_start3A_106 : memref<10240x1024xf32, #tpu.memory_space<hbm>>) offsets(%dma_start3A_103 : memref<32xi32, #tpu.memory_space<vmem>>) semaphore(%arg12 : memref<!tpu.dma_semaphore, #tpu.memory_space<semaphore_mem>>)
    %dma_wait3A_107 = arith.constant 0 : i32
    %dma_wait3A_108 = arith.constant 0 : i32
    %dma_wait3A_109 = tpu.memref_slice %arg4[%dma_wait3A_107, %dma_wait3A_108] : memref<10240x1024xf32, #tpu.memory_space<hbm>> -> memref<32x1024xf32, #tpu.memory_space<hbm>>
    %dma_wait3A_110 = arith.constant 0 : i32
    %dma_wait3A_111 = arith.constant 0 : i32
    %dma_wait3A_112 = tpu.memref_slice %arg4[%dma_wait3A_110, %dma_wait3A_111] : memref<10240x1024xf32, #tpu.memory_space<hbm>> -> memref<32x1024xf32, #tpu.memory_space<hbm>>
    tpu.wait_dma2 semaphore(%arg12 : memref<!tpu.dma_semaphore, #tpu.memory_space<semaphore_mem>>) src(%arg6 : memref<32x1024xf32, #tpu.memory_space<vmem>>) dst(%dma_wait3A_112 : memref<32x1024xf32, #tpu.memory_space<hbm>>)
    %add3A_113 = arith.constant 192 : i32
    %add3A_114 = arith.addi %mul3A_2, %add3A_113 : i32
    %dma_start3A_115 = arith.constant 0 : i32
    %dma_start3A_116 = tpu.memref_slice %arg2[%add3A_114, %dma_start3A_115] : memref<8192x1024xf32, #tpu.memory_space<hbm>> -> memref<32x1024xf32, #tpu.memory_space<hbm>>
    %dma_start3A_117 = arith.constant 0 : i32
    %dma_start3A_118 = tpu.memref_slice %arg2[%add3A_114, %dma_start3A_117] : memref<8192x1024xf32, #tpu.memory_space<hbm>> -> memref<32x1024xf32, #tpu.memory_space<hbm>>
    tpu.enqueue_dma source(%dma_start3A_118 : memref<32x1024xf32, #tpu.memory_space<hbm>>) target(%arg6 : memref<32x1024xf32, #tpu.memory_space<vmem>>) target_semaphore(%arg9 : memref<!tpu.dma_semaphore, #tpu.memory_space<semaphore_mem>>)
    %dma_wait3A_119 = arith.constant 0 : i32
    %dma_wait3A_120 = arith.constant 0 : i32
    %dma_wait3A_121 = tpu.memref_slice %arg2[%dma_wait3A_119, %dma_wait3A_120] : memref<8192x1024xf32, #tpu.memory_space<hbm>> -> memref<32x1024xf32, #tpu.memory_space<hbm>>
    %dma_wait3A_122 = arith.constant 0 : i32
    %dma_wait3A_123 = arith.constant 0 : i32
    %dma_wait3A_124 = tpu.memref_slice %arg2[%dma_wait3A_122, %dma_wait3A_123] : memref<8192x1024xf32, #tpu.memory_space<hbm>> -> memref<32x1024xf32, #tpu.memory_space<hbm>>
    tpu.wait_dma2 semaphore(%arg10 : memref<!tpu.dma_semaphore, #tpu.memory_space<semaphore_mem>>) src(%dma_wait3A_124 : memref<32x1024xf32, #tpu.memory_space<hbm>>) dst(%arg7 : memref<32x1024xf32, #tpu.memory_space<vmem>>)
    %dma_start3A_125 = arith.constant 4 : i32
    %dma_start3A_126 = arith.constant 0 : i32
    %dma_start3A_127 = tpu.memref_slice %arg5[%dma_start3A_125, %dma_start3A_126] : memref<8x32xi32, #tpu.memory_space<vmem>> -> memref<1x32xi32, #tpu.memory_space<vmem>>
    %dma_start3A_128 = tpu.memref_squeeze %dma_start3A_127 : memref<1x32xi32, #tpu.memory_space<vmem>> -> memref<32xi32, #tpu.memory_space<vmem>>
    %dma_start3A_129 = arith.constant 0 : i32
    %dma_start3A_130 = arith.constant 0 : i32
    %dma_start3A_131 = tpu.memref_slice %arg4[%dma_start3A_129, %dma_start3A_130] : memref<10240x1024xf32, #tpu.memory_space<hbm>> -> memref<10240x1024xf32, #tpu.memory_space<hbm>>
    tpu.enqueue_indirect_dma source(%arg7 : memref<32x1024xf32, #tpu.memory_space<vmem>>) target(%dma_start3A_131 : memref<10240x1024xf32, #tpu.memory_space<hbm>>) offsets(%dma_start3A_128 : memref<32xi32, #tpu.memory_space<vmem>>) semaphore(%arg13 : memref<!tpu.dma_semaphore, #tpu.memory_space<semaphore_mem>>)
    %dma_wait3A_132 = arith.constant 0 : i32
    %dma_wait3A_133 = arith.constant 0 : i32
    %dma_wait3A_134 = tpu.memref_slice %arg4[%dma_wait3A_132, %dma_wait3A_133] : memref<10240x1024xf32, #tpu.memory_space<hbm>> -> memref<32x1024xf32, #tpu.memory_space<hbm>>
    %dma_wait3A_135 = arith.constant 0 : i32
    %dma_wait3A_136 = arith.constant 0 : i32
    %dma_wait3A_137 = tpu.memref_slice %arg4[%dma_wait3A_135, %dma_wait3A_136] : memref<10240x1024xf32, #tpu.memory_space<hbm>> -> memref<32x1024xf32, #tpu.memory_space<hbm>>
    tpu.wait_dma2 semaphore(%arg13 : memref<!tpu.dma_semaphore, #tpu.memory_space<semaphore_mem>>) src(%arg7 : memref<32x1024xf32, #tpu.memory_space<vmem>>) dst(%dma_wait3A_137 : memref<32x1024xf32, #tpu.memory_space<hbm>>)
    %add3A_138 = arith.constant 224 : i32
    %add3A_139 = arith.addi %mul3A_2, %add3A_138 : i32
    %dma_start3A_140 = arith.constant 0 : i32
    %dma_start3A_141 = tpu.memref_slice %arg2[%add3A_139, %dma_start3A_140] : memref<8192x1024xf32, #tpu.memory_space<hbm>> -> memref<32x1024xf32, #tpu.memory_space<hbm>>
    %dma_start3A_142 = arith.constant 0 : i32
    %dma_start3A_143 = tpu.memref_slice %arg2[%add3A_139, %dma_start3A_142] : memref<8192x1024xf32, #tpu.memory_space<hbm>> -> memref<32x1024xf32, #tpu.memory_space<hbm>>
    tpu.enqueue_dma source(%dma_start3A_143 : memref<32x1024xf32, #tpu.memory_space<hbm>>) target(%arg7 : memref<32x1024xf32, #tpu.memory_space<vmem>>) target_semaphore(%arg10 : memref<!tpu.dma_semaphore, #tpu.memory_space<semaphore_mem>>)
    %dma_wait3A_144 = arith.constant 0 : i32
    %dma_wait3A_145 = arith.constant 0 : i32
    %dma_wait3A_146 = tpu.memref_slice %arg2[%dma_wait3A_144, %dma_wait3A_145] : memref<8192x1024xf32, #tpu.memory_space<hbm>> -> memref<32x1024xf32, #tpu.memory_space<hbm>>
    %dma_wait3A_147 = arith.constant 0 : i32
    %dma_wait3A_148 = arith.constant 0 : i32
    %dma_wait3A_149 = tpu.memref_slice %arg2[%dma_wait3A_147, %dma_wait3A_148] : memref<8192x1024xf32, #tpu.memory_space<hbm>> -> memref<32x1024xf32, #tpu.memory_space<hbm>>
    tpu.wait_dma2 semaphore(%arg11 : memref<!tpu.dma_semaphore, #tpu.memory_space<semaphore_mem>>) src(%dma_wait3A_149 : memref<32x1024xf32, #tpu.memory_space<hbm>>) dst(%arg8 : memref<32x1024xf32, #tpu.memory_space<vmem>>)
    %dma_start3A_150 = arith.constant 5 : i32
    %dma_start3A_151 = arith.constant 0 : i32
    %dma_start3A_152 = tpu.memref_slice %arg5[%dma_start3A_150, %dma_start3A_151] : memref<8x32xi32, #tpu.memory_space<vmem>> -> memref<1x32xi32, #tpu.memory_space<vmem>>
    %dma_start3A_153 = tpu.memref_squeeze %dma_start3A_152 : memref<1x32xi32, #tpu.memory_space<vmem>> -> memref<32xi32, #tpu.memory_space<vmem>>
    %dma_start3A_154 = arith.constant 0 : i32
    %dma_start3A_155 = arith.constant 0 : i32
    %dma_start3A_156 = tpu.memref_slice %arg4[%dma_start3A_154, %dma_start3A_155] : memref<10240x1024xf32, #tpu.memory_space<hbm>> -> memref<10240x1024xf32, #tpu.memory_space<hbm>>
    tpu.enqueue_indirect_dma source(%arg8 : memref<32x1024xf32, #tpu.memory_space<vmem>>) target(%dma_start3A_156 : memref<10240x1024xf32, #tpu.memory_space<hbm>>) offsets(%dma_start3A_153 : memref<32xi32, #tpu.memory_space<vmem>>) semaphore(%arg14 : memref<!tpu.dma_semaphore, #tpu.memory_space<semaphore_mem>>)
    %dma_wait3A_157 = arith.constant 0 : i32
    %dma_wait3A_158 = arith.constant 0 : i32
    %dma_wait3A_159 = tpu.memref_slice %arg2[%dma_wait3A_157, %dma_wait3A_158] : memref<8192x1024xf32, #tpu.memory_space<hbm>> -> memref<32x1024xf32, #tpu.memory_space<hbm>>
    %dma_wait3A_160 = arith.constant 0 : i32
    %dma_wait3A_161 = arith.constant 0 : i32
    %dma_wait3A_162 = tpu.memref_slice %arg2[%dma_wait3A_160, %dma_wait3A_161] : memref<8192x1024xf32, #tpu.memory_space<hbm>> -> memref<32x1024xf32, #tpu.memory_space<hbm>>
    tpu.wait_dma2 semaphore(%arg9 : memref<!tpu.dma_semaphore, #tpu.memory_space<semaphore_mem>>) src(%dma_wait3A_162 : memref<32x1024xf32, #tpu.memory_space<hbm>>) dst(%arg6 : memref<32x1024xf32, #tpu.memory_space<vmem>>)
    %dma_start3A_163 = arith.constant 6 : i32
    %dma_start3A_164 = arith.constant 0 : i32
    %dma_start3A_165 = tpu.memref_slice %arg5[%dma_start3A_163, %dma_start3A_164] : memref<8x32xi32, #tpu.memory_space<vmem>> -> memref<1x32xi32, #tpu.memory_space<vmem>>
    %dma_start3A_166 = tpu.memref_squeeze %dma_start3A_165 : memref<1x32xi32, #tpu.memory_space<vmem>> -> memref<32xi32, #tpu.memory_space<vmem>>
    %dma_start3A_167 = arith.constant 0 : i32
    %dma_start3A_168 = arith.constant 0 : i32
    %dma_start3A_169 = tpu.memref_slice %arg4[%dma_start3A_167, %dma_start3A_168] : memref<10240x1024xf32, #tpu.memory_space<hbm>> -> memref<10240x1024xf32, #tpu.memory_space<hbm>>
    tpu.enqueue_indirect_dma source(%arg6 : memref<32x1024xf32, #tpu.memory_space<vmem>>) target(%dma_start3A_169 : memref<10240x1024xf32, #tpu.memory_space<hbm>>) offsets(%dma_start3A_166 : memref<32xi32, #tpu.memory_space<vmem>>) semaphore(%arg12 : memref<!tpu.dma_semaphore, #tpu.memory_space<semaphore_mem>>)
    %dma_wait3A_170 = arith.constant 0 : i32
    %dma_wait3A_171 = arith.constant 0 : i32
    %dma_wait3A_172 = tpu.memref_slice %arg2[%dma_wait3A_170, %dma_wait3A_171] : memref<8192x1024xf32, #tpu.memory_space<hbm>> -> memref<32x1024xf32, #tpu.memory_space<hbm>>
    %dma_wait3A_173 = arith.constant 0 : i32
    %dma_wait3A_174 = arith.constant 0 : i32
    %dma_wait3A_175 = tpu.memref_slice %arg2[%dma_wait3A_173, %dma_wait3A_174] : memref<8192x1024xf32, #tpu.memory_space<hbm>> -> memref<32x1024xf32, #tpu.memory_space<hbm>>
    tpu.wait_dma2 semaphore(%arg10 : memref<!tpu.dma_semaphore, #tpu.memory_space<semaphore_mem>>) src(%dma_wait3A_175 : memref<32x1024xf32, #tpu.memory_space<hbm>>) dst(%arg7 : memref<32x1024xf32, #tpu.memory_space<vmem>>)
    %dma_start3A_176 = arith.constant 7 : i32
    %dma_start3A_177 = arith.constant 0 : i32
    %dma_start3A_178 = tpu.memref_slice %arg5[%dma_start3A_176, %dma_start3A_177] : memref<8x32xi32, #tpu.memory_space<vmem>> -> memref<1x32xi32, #tpu.memory_space<vmem>>
    %dma_start3A_179 = tpu.memref_squeeze %dma_start3A_178 : memref<1x32xi32, #tpu.memory_space<vmem>> -> memref<32xi32, #tpu.memory_space<vmem>>
    %dma_start3A_180 = arith.constant 0 : i32
    %dma_start3A_181 = arith.constant 0 : i32
    %dma_start3A_182 = tpu.memref_slice %arg4[%dma_start3A_180, %dma_start3A_181] : memref<10240x1024xf32, #tpu.memory_space<hbm>> -> memref<10240x1024xf32, #tpu.memory_space<hbm>>
    tpu.enqueue_indirect_dma source(%arg7 : memref<32x1024xf32, #tpu.memory_space<vmem>>) target(%dma_start3A_182 : memref<10240x1024xf32, #tpu.memory_space<hbm>>) offsets(%dma_start3A_179 : memref<32xi32, #tpu.memory_space<vmem>>) semaphore(%arg13 : memref<!tpu.dma_semaphore, #tpu.memory_space<semaphore_mem>>)
    %dma_wait3A_183 = arith.constant 0 : i32
    %dma_wait3A_184 = arith.constant 0 : i32
    %dma_wait3A_185 = tpu.memref_slice %arg4[%dma_wait3A_183, %dma_wait3A_184] : memref<10240x1024xf32, #tpu.memory_space<hbm>> -> memref<32x1024xf32, #tpu.memory_space<hbm>>
    %dma_wait3A_186 = arith.constant 0 : i32
    %dma_wait3A_187 = arith.constant 0 : i32
    %dma_wait3A_188 = tpu.memref_slice %arg4[%dma_wait3A_186, %dma_wait3A_187] : memref<10240x1024xf32, #tpu.memory_space<hbm>> -> memref<32x1024xf32, #tpu.memory_space<hbm>>
    tpu.wait_dma2 semaphore(%arg14 : memref<!tpu.dma_semaphore, #tpu.memory_space<semaphore_mem>>) src(%arg8 : memref<32x1024xf32, #tpu.memory_space<vmem>>) dst(%dma_wait3A_188 : memref<32x1024xf32, #tpu.memory_space<hbm>>)
    %dma_wait3A_189 = arith.constant 0 : i32
    %dma_wait3A_190 = arith.constant 0 : i32
    %dma_wait3A_191 = tpu.memref_slice %arg4[%dma_wait3A_189, %dma_wait3A_190] : memref<10240x1024xf32, #tpu.memory_space<hbm>> -> memref<32x1024xf32, #tpu.memory_space<hbm>>
    %dma_wait3A_192 = arith.constant 0 : i32
    %dma_wait3A_193 = arith.constant 0 : i32
    %dma_wait3A_194 = tpu.memref_slice %arg4[%dma_wait3A_192, %dma_wait3A_193] : memref<10240x1024xf32, #tpu.memory_space<hbm>> -> memref<32x1024xf32, #tpu.memory_space<hbm>>
    tpu.wait_dma2 semaphore(%arg12 : memref<!tpu.dma_semaphore, #tpu.memory_space<semaphore_mem>>) src(%arg6 : memref<32x1024xf32, #tpu.memory_space<vmem>>) dst(%dma_wait3A_194 : memref<32x1024xf32, #tpu.memory_space<hbm>>)
    %dma_wait3A_195 = arith.constant 0 : i32
    %dma_wait3A_196 = arith.constant 0 : i32
    %dma_wait3A_197 = tpu.memref_slice %arg4[%dma_wait3A_195, %dma_wait3A_196] : memref<10240x1024xf32, #tpu.memory_space<hbm>> -> memref<32x1024xf32, #tpu.memory_space<hbm>>
    %dma_wait3A_198 = arith.constant 0 : i32
    %dma_wait3A_199 = arith.constant 0 : i32
    %dma_wait3A_200 = tpu.memref_slice %arg4[%dma_wait3A_198, %dma_wait3A_199] : memref<10240x1024xf32, #tpu.memory_space<hbm>> -> memref<32x1024xf32, #tpu.memory_space<hbm>>
    tpu.wait_dma2 semaphore(%arg13 : memref<!tpu.dma_semaphore, #tpu.memory_space<semaphore_mem>>) src(%arg7 : memref<32x1024xf32, #tpu.memory_space<vmem>>) dst(%dma_wait3A_200 : memref<32x1024xf32, #tpu.memory_space<hbm>>)
    return
  }
}

module attributes {stable_mosaic.version = 14 : i64} {
  func.func @mm_body(%arg0: i32, %arg1: memref<40xi32, #tpu.memory_space<smem>>, %arg2: memref<256x1024xf32, #tpu.memory_space<vmem>>, %arg3: memref<1x1024x1024xf32, #tpu.memory_space<vmem>>, %arg4: memref<1x1x1024xf32, #tpu.memory_space<vmem>>, %arg5: memref<256x1024xf32, #tpu.memory_space<vmem>>) attributes {dimension_semantics = [#tpu.dimension_semantics<arbitrary>], iteration_bounds = array<i64: 40>, scalar_prefetch = 1 : i64, scratch_operands = 0 : i64, tpu.core_type = #tpu.core_type<tc>, window_params = [{transform_indices = @transform_0, window_bounds = array<i64: 256, 1024>}, {transform_indices = @transform_1, window_bounds = array<i64: 1, 1024, 1024>}, {transform_indices = @transform_2, window_bounds = array<i64: 1, 1, 1024>}, {transform_indices = @transform_3, window_bounds = array<i64: 256, 1024>}]} {
    %get3A = arith.constant 0 : index
    %get3A_0 = arith.constant 0 : index
    %get3A_1 = vector.load %arg2[%get3A, %get3A_0] : memref<256x1024xf32, #tpu.memory_space<vmem>>, vector<256x1024xf32>
    %get3A_2 = arith.constant 0 : index
    %get3A_3 = arith.constant 0 : index
    %get3A_4 = arith.constant 0 : index
    %get3A_5 = vector.load %arg3[%get3A_2, %get3A_3, %get3A_4] : memref<1x1024x1024xf32, #tpu.memory_space<vmem>>, vector<1x1024x1024xf32>
    %get3A_6 = vector.shape_cast %get3A_5 : vector<1x1024x1024xf32> to vector<1024x1024xf32>
    %dot_general3A = arith.constant dense<0.000000e+00> : vector<256x1024xf32>
    %dot_general3A_7 = tpu.matmul %get3A_1, %get3A_6, %dot_general3A {dimension_numbers = #tpu.dot_dimension_numbers<[1], [0], [0], [1], [0, 0, 1, 1], [], []>, transpose_lhs_hint = false} : vector<256x1024xf32>, vector<1024x1024xf32>, vector<256x1024xf32> -> vector<256x1024xf32>
    %get3A_8 = arith.constant 0 : index
    %get3A_9 = arith.constant 0 : index
    %get3A_10 = arith.constant 0 : index
    %get3A_11 = vector.load %arg4[%get3A_8, %get3A_9, %get3A_10] : memref<1x1x1024xf32, #tpu.memory_space<vmem>>, vector<1x1x1024xf32>
    %get3A_12 = vector.shape_cast %get3A_11 : vector<1x1x1024xf32> to vector<1x1024xf32>
    %add3A = vector.broadcast %get3A_12 : vector<1x1024xf32> to vector<256x1024xf32>
    %add3A_13 = arith.addf %dot_general3A_7, %add3A : vector<256x1024xf32>
    %swap3A = arith.constant 0 : index
    %swap3A_14 = arith.constant 0 : index
    %swap3A_15 = vector.load %arg5[%swap3A, %swap3A_14] : memref<256x1024xf32, #tpu.memory_space<vmem>>, vector<256x1024xf32>
    tpu.vector_store %arg5[%swap3A, %swap3A_14], %add3A_13 {strides = array<i32>} : memref<256x1024xf32, #tpu.memory_space<vmem>>, vector<256x1024xf32>,
    return
  }
  func.func @transform_0(%arg0: i32, %arg1: memref<40xi32, #tpu.memory_space<smem>>) -> (i32, i32) {
    %c0_i32 = arith.constant 0 : i32
    %c0_i32_0 = arith.constant 0 : i32
    return %arg0, %c0_i32 : i32, i32
  }
  func.func @transform_1(%arg0: i32, %arg1: memref<40xi32, #tpu.memory_space<smem>>) -> (i32, i32, i32) {
    %get3A = arith.index_cast %arg0 : i32 to index
    %get3A_0 = memref.load %arg1[%get3A] : memref<40xi32, #tpu.memory_space<smem>>
    %c0_i32 = arith.constant 0 : i32
    %c0_i32_1 = arith.constant 0 : i32
    %c0_i32_2 = arith.constant 0 : i32
    return %get3A_0, %c0_i32, %c0_i32_1 : i32, i32, i32
  }
  func.func @transform_2(%arg0: i32, %arg1: memref<40xi32, #tpu.memory_space<smem>>) -> (i32, i32, i32) {
    %get3A = arith.index_cast %arg0 : i32 to index
    %get3A_0 = memref.load %arg1[%get3A] : memref<40xi32, #tpu.memory_space<smem>>
    %c0_i32 = arith.constant 0 : i32
    %c0_i32_1 = arith.constant 0 : i32
    %c0_i32_2 = arith.constant 0 : i32
    return %get3A_0, %c0_i32, %c0_i32_1 : i32, i32, i32
  }
  func.func @transform_3(%arg0: i32, %arg1: memref<40xi32, #tpu.memory_space<smem>>) -> (i32, i32) {
    %c0_i32 = arith.constant 0 : i32
    %c0_i32_0 = arith.constant 0 : i32
    return %arg0, %c0_i32 : i32, i32
  }
}

</mosaic_0001>

<sc_bundles>
// kernel: kernel.5.cloned.1.call-start
scs
__scs_entry_jumppad:
0x0: {  	(pc) =	sbr.rel $0x88, $3  }
0x1: {  	(tag) =	ssettag $0x0;
	lr =	simm.s32 $0x1  }
0x2: {  	[smem:$0x3F9D] =	sst lr;
	_ =	strace $0xD0000000  }
0x3: {  	_ = 	snop  }
0x4: {  	_ = 	snop  }
0x5: {  	_ = 	snop  }
0x6: {  	_ = 	snop  }
0x7: {  	_ = 	snop  }
__scs_overlays_trampoline_lowered:
0x8: {  	[smem:$0x3FAC] =	sst s0  }
0x9: {  	[smem:$0x3FAD] =	sst s1  }
0xa: {  	[smem:$0x3FAE] =	sst s2  }
0xb: {  	[smem:$0x3FAF] =	sst s3  }
0xc: {  	[smem:$0x3FB0] =	sst s4  }
0xd: {  	[smem:$0x3FB1] =	sst s5  }
0xe: {  	[smem:$0x3FB2] =	sst s6  }
0xf: {  	[smem:$0x3FB3] =	sst s7  }
0x10: {  	[smem:$0x3FB4] =	sst s8  }
0x11: {  	[smem:$0x3FB5] =	sst s9;
	s0 =	simm.s32 @!p0 $0x0  }
0x12: {  	s1 =	sld [smem:$0x3F9B];
	s0 =	simm.s32 @p0 $0x1  }
0x13: {  	[smem:$0x3FB6] =	sst s0;
	s0 =	simm.s32 @!p1 $0x0  }
0x14: {  	s2 =	sld [smem:$0x3F9A];
	s0 =	simm.s32 @p1 $0x1  }
0x15: {  	[smem:$0x3FB7] =	sst s0;
	s0 =	simm.s32 @!p2 $0x0  }
0x16: {  	s3 =	sld [smem:$0x3FDB];
	s0 =	simm.s32 @p2 $0x1  }
0x17: {  	s4 =	simm.s32 $0x1BF5;
	[smem:$0x3FB9] =	sst s0  }
0x18: {  	s0 =	sld [smem:$0x3F9C];
	_ =	swait.ge [sflag:s4], $0x0  }
0x19: {  	s7 =	sld [smem:$0x3F9D]  }
0x1a: {  	s8 =	sadd.s32 $0xFFFFE003, lr  }
0x1b: {  	s9 =	sadd.s32 $0xFFFFFEF7, lr;
	s5 =	simm.s32 $0xFFFFFFFF;
	p2 =	slt.u32 s8, $0xFFFFF086  }
0x1c: {  	p1 =	slt.u32 s9, $0xF7A;
	s5 =	simm.s32 @!p2 $0x0  }
0x1d: {  	s5 =	simm.s32 @p1 $0x1;
	p0 =	seq.s32 s7, s2  }
0x1e: {  	s7 =	smul.u32 @!p0 $0xF7A, s2;
	p2 =	seq.s32 @!p0 s5, $0x0  }
0x1f: {  	s9 =	smul.u32 $0xF7A, s1;
	s8 =	simm.s32 @!p0 $0x1BF5;
	p2 =	por !p2, p0  }
0x20: {  	[sflag:s8] =	ssyncset.s32 @!p0 $0xFFFFF086;
	s6 =	sadd.s32 @!p0 s3, s7;
	s7 =	simm.s32 @!p0 $0x108  }
0x21: {  	s3 =	sadd.s32 s3, s9;
	s6 =	sadd.s32 @!p0 $0x88, s6;
	s7 =	simm.s32 @p2 $0x1082  }
0x22: {  	[simem:s7], [sflag:s8] =	dma.local @!p0 [hbm:s6], $0xF7A  }
0x23: {  	s9 =	sor.u32 $0xD0000000, s2;
	s6 =	simm.s32 $0x108;
	_ =	swait.ge @!p0 [sflag:s8], $0x0  }
0x24: {  	s3 =	sadd.s32 $0x88, s3;
	s6 =	simm.s32 @!p1 $0x1082;
	[sflag:s4] =	ssyncset.s32 $0xFFFFF086  }
0x25: {  	[simem:s6], [sflag:s4] =	dma.local [hbm:s3], $0xF7A  }
0x26: {  	[smem:$0x3F9D] =	sst s1;
	(tag) =	ssettag s2;
	_ =	strace s9  }
0x27: {  	s1 =	sld [smem:$0x3FAD]  }
0x28: {  	s2 =	sld [smem:$0x3FAE]  }
0x29: {  	s4 =	sld [smem:$0x3FB0]  }
0x2a: {  	p0 =	seq.s32 s5, $0x0;
	s5 =	sld [smem:$0x3FB1]  }
0x2b: {  	s6 =	sld [smem:$0x3FB2]  }
0x2c: {  	s7 =	sld [smem:$0x3FB3]  }
0x2d: {  	s3 =	simm.s32 $0x108;
	s8 =	sld [smem:$0x3FB4]  }
0x2e: {  	s3 =	simm.s32 @!p0 $0x1082;
	s9 =	sld [smem:$0x3FB5]  }
0x2f: {  	lr =	sadd.s32 s0, s3;
	s0 =	sld [smem:$0x3FAC]  }
0x30: {  	s3 =	sld [smem:$0x3FAF]  }
0x31: {  	[smem:$0x3FB8] =	sst s10  }
0x32: {  	s10 =	sld [smem:$0x3FB6];
	_ =	sdelay $0x3  }
0x33: {  	p0 =	seq.s32 s10, $0x1;
	s10 =	sld [smem:$0x3FB8];
	_ =	sdelay $0x3  }
0x34: {  	[smem:$0x3FB8] =	sst s10  }
0x35: {  	s10 =	sld [smem:$0x3FB7];
	_ =	sdelay $0x3  }
0x36: {  	p1 =	seq.s32 s10, $0x1;
	s10 =	sld [smem:$0x3FB8];
	_ =	sdelay $0x3  }
0x37: {  	[smem:$0x3FB8] =	sst s10  }
0x38: {  	s10 =	sld [smem:$0x3FB9]  }
0x39: {  	_ = 	snop;
	(pc) =	sbr.ind lr, $3  }
0x3a: {  	_ = 	snop  }
0x3b: {  	_ = 	snop  }
0x3c: {  	p2 =	seq.s32 s10, $0x1;
	s10 =	sld [smem:$0x3FB8]  }
0x3d: {  	_ =	shalt  }
0x3e: {  	_ =	shalt  }
0x3f: {  	_ =	shalt  }
0x40: {  	_ =	shalt  }
0x41: {  	_ =	shalt  }
0x42: {  	_ =	shalt  }
0x43: {  	_ =	shalt  }
0x44: {  	_ =	shalt  }
0x45: {  	_ =	shalt  }
0x46: {  	_ =	shalt  }
0x47: {  	_ =	shalt  }
0x48: {  	_ =	shalt  }
0x49: {  	_ =	shalt  }
0x4a: {  	_ =	shalt  }
0x4b: {  	_ =	shalt  }
0x4c: {  	_ =	shalt  }
0x4d: {  	_ =	shalt  }
0x4e: {  	_ =	shalt  }
0x4f: {  	_ =	shalt  }
0x50: {  	_ =	shalt  }
0x51: {  	_ =	shalt  }
0x52: {  	_ =	shalt  }
0x53: {  	_ =	shalt  }
0x54: {  	_ =	shalt  }
0x55: {  	_ =	shalt  }
0x56: {  	_ =	shalt  }
0x57: {  	_ =	shalt  }
0x58: {  	_ =	shalt  }
0x59: {  	_ =	shalt  }
0x5a: {  	_ =	shalt  }
0x5b: {  	_ =	shalt  }
0x5c: {  	_ =	shalt  }
0x5d: {  	_ =	shalt  }
0x5e: {  	_ =	shalt  }
0x5f: {  	_ =	shalt  }
0x60: {  	_ =	shalt  }
0x61: {  	_ =	shalt  }
0x62: {  	_ =	shalt  }
0x63: {  	_ =	shalt  }
0x64: {  	_ =	shalt  }
0x65: {  	_ =	shalt  }
0x66: {  	_ =	shalt  }
0x67: {  	_ =	shalt  }
0x68: {  	_ =	shalt  }
0x69: {  	_ =	shalt  }
0x6a: {  	_ =	shalt  }
0x6b: {  	_ =	shalt  }
0x6c: {  	_ =	shalt  }
0x6d: {  	_ =	shalt  }
0x6e: {  	_ =	shalt  }
0x6f: {  	_ =	shalt  }
0x70: {  	_ =	shalt  }
0x71: {  	_ =	shalt  }
0x72: {  	_ =	shalt  }
0x73: {  	_ =	shalt  }
0x74: {  	_ =	shalt  }
0x75: {  	_ =	shalt  }
0x76: {  	_ =	shalt  }
0x77: {  	_ =	shalt  }
0x78: {  	_ =	shalt  }
0x79: {  	_ =	shalt  }
0x7a: {  	_ =	shalt  }
0x7b: {  	_ =	shalt  }
0x7c: {  	_ =	shalt  }
0x7d: {  	_ =	shalt  }
0x7e: {  	_ =	shalt  }
0x7f: {  	_ =	shalt  }
0x80: {  	_ =	shalt  }
0x81: {  	_ =	shalt  }
0x82: {  	_ =	shalt  }
0x83: {  	_ =	shalt  }
0x84: {  	_ =	shalt  }
0x85: {  	_ =	shalt  }
0x86: {  	_ =	shalt  }
0x87: {  	_ =	shalt  }
.Lfunc_end0:
.L_simem_size_0:
called_computation_lowered:
.L_overlay_start_0:
0x88: {  	s2 =	sld [smem:$0x3FD9]  }
0x89: {  	s3 =	sld [smem:$0x3FFE];
	_ =	sdelay $0x1  }
0x8a: {  	s1 =	srdreg.scid  }
0x8b: {  	s0 =	sand.u32 $0x1, s1  }
0x8c: {  	s17 =	sshll.u32 s0, $0xA;
	s2 =	sadd.s32 s3, s2  }
0x8d: {  	s2 =	sadd.s32 s2, s17  }
0x8e: {  	[smem:$0x3FC4] =	sst s2  }
0x8f: {  	_ = 	snop  }
0x90: {  	s2 =	sld [smem:$0x3FC9]  }
0x91: {  	s18 =	sld [smem:$0x3FD0];
	(tm) =	ssettm $0x1  }
0x92: {  	s4 =	sld [smem:$0x3FFB];
	_ =	sdelay $0x3  }
0x93: {  	_ =	strace s4  }
0x94: {  	s4 =	sld [smem:$0x3FFC];
	_ =	sdelay $0x3  }
0x95: {  	_ =	strace s4  }
0x96: {  	s4 =	sld [smem:$0x3FFD];
	_ =	sdelay $0x3  }
0x97: {  	_ =	strace s4  }
0x98: {  	_ =	strace $0x8FFFFFFF  }
0x99: {  	s19 =	sld [smem:$0x3FDB];
	_ =	sdelay $0x1  }
0x9a: {  	s5 =	simm.s32 $_scs_section_size  }
0x9b: {  	s6 =	simm.s32 $_size__tile_overlayer_lowered;
	s7 =	simm.s32 $_tile_overlayer_lowered  }
0x9c: {  	s22 =	simm.s32 $0x1BFF;
	s21 =	sshll.u32 s7, $0x1;
	s4 =	sadd.s32 s5, s19  }
0x9d: {  	s8 =	simm.s32 $0x0;
	s20 =	sshll.u32 s6, $0x1;
	s6 =	sadd.s32 s21, s4  }
0x9e: {  	[timem:s8], [sflag:s22] =	dma.local [hbm:s6], s20  }
0x9f: {  	_ =	swait.ge [sflag:s22], s20  }
0xa0: {  	s5 =	ssub.s32 $0x0, s20;
	[sflag:s22] =	ssyncset.done $0x0  }
0xa1: {  	[sflag:s22] =	ssyncadd.s32 s5;
	_ =	sdelay $0x1  }
0xa2: {  	s23 =	simm.s32 $0x1B8B  }
0xa3: {  	_ =	swait.ge [sflag:s23], $0x1  }
0xa4: {  	[sflag:s23] =	ssyncset.done $0x0  }
0xa5: {  	s25 =	simm.s32 $0x1B8E;
	s24 =	sld [smem:$0x3FFE];
	[sflag:s23] =	ssyncadd.s32 $0xFFFFFFFF  }
0xa6: {  	s26 =	simm.s32 $execute0_lowered;
	[smem:$0x3FD2] =	sst s25  }
0xa7: {  	s6 =	sshll.u32 s26, $0x1;
	_ =	strace $0x80000046;
	[dreg:$0x1] =	wrdreg $0xFFFFFFFF  }
0xa8: {  	s28 =	simm.s32 $_size_execute0_lowered;
	s4 =	sadd.s32 s4, s6;
	[dreg:$0x0] =	wrdreg $0x0  }
0xa9: {  	s6 =	sshll.u32 s28, $0x1;
	[dreg:$0x2] =	wrdreg s4  }
0xaa: {  	[dreg:$0x3] =	wrdreg s6  }
0xab: {  	[dreg:$0x4] =	wrdreg $0xC0  }
0xac: {  	_ =	task [dreg:s8], $0x5FFFF  }
0xad: {  	[dreg:$0x1] =	wrdreg $0xFFFFFFFF  }
0xae: {  	[dreg:$0x0] =	wrdreg $0x60  }
0xaf: {  	[dreg:$0x2] =	wrdreg s2  }
0xb0: {  	[dreg:$0x3] =	wrdreg s18  }
0xb1: {  	[dreg:$0x4] =	wrdreg s24  }
0xb2: {  	[dreg:$0x5] =	wrdreg $0x9  }
0xb3: {  	_ =	task.clear_ibuf [dreg:s8], $0x6FFFF;
	_ =	strace $0x90000046  }
0xb4: {  	s29 =	simm.s32 $0x9;
	_ =	strace $0x80000048  }
0xb5: {  	_ =	swait.ge [sflag:s29], $0x1  }
0xb6: {  	[sflag:s29] =	ssyncadd.s32 $0xFFFFFFFF  }
0xb7: {  	_ =	strace $0x90000048  }
0xb8: {  	_ =	sfence  }
0xb9: {  	s30 =	sld [smem:$0x0];
	_ =	sdelay $0x2  }
0xba: {  	s31 =	sshll.u32 s1, $0xD;
	s1 =	sshrl.u32 s1, $0x2  }
0xbb: {  	s3 =	sand.u32 $0x4000, s31;
	s1 =	sadd.s32 s1, s30  }
0xbc: {  	s0 =	sor.u32 s3, s0;
	s1 =	sshll.u32 s1, $0x11  }
0xbd: {  	s0 =	sor.u32 s1, s0  }
0xbe: {  	s0 =	sadd.s32 $0x8F2B, s0  }
0xbf: {  	[sflag:s0] =	ssyncadd.remote.s32 $0x1  }
0xc0: {  	_ =	sfence.sel $0xFFFF  }
0xc1: {  	[dreg:$0x0] =	wrdreg $0xFFFFFFFF;
	(pc) =	sbr.abs _section_cstart, $3  }
0xc2: {  	[dreg:$0x1] =	wrdreg $0xFFFFFFFF  }
0xc3: {  	_ =	task.clear_ibuf [dreg:s8], $0x2FFFF;
	_ =	strace $0x9FFFFFFF  }
0xc4: {  	(tm) =	ssettm $0x7FFFFFFF  }
0xc5: {  	_ =	shalt  }
tec
execute0_lowered:
.L_overlay_start_1:
0x0: {  	(tag) =	ssettag $0x1  }
0x1: {  	s0 =	rddreg [dreg:$0x0]  }
0x2: {  	s1 =	rddreg [dreg:$0x1]  }
0x3: {  	s2 =	srdreg.scid;
	s4 =	stileid.u32  }
0x4: {  	s3 =	rddreg [dreg:$0x2];
	s30 =	simm.s32 $0x4;
	s31 =	simm.s32 $0x2  }
0x5: {  	s11 =	simm.s32 $0x400;
	s10 =	simm.s32 $0x10400;
	s28 =	simm.s32 $0x3  }
0x6: {  	s9 =	simm.s32 $0x11400;
	s12 =	simm.s32 $0x11C00;
	s14 =	simm.s32 $0x12400  }
0x7: {  	s15 =	simm.s32 $0x12C00;
	s16 =	simm.s32 $0x13400;
	s17 =	simm.s32 $0x13C00  }
0x8: {  	s18 =	simm.s32 $0x14400;
	s5 =	sand.u32 $0x1, s2;
	s4 =	sshll.u32 s4, $0x1  }
0x9: {  	s19 =	simm.s32 $0x14C00;
	s20 =	simm.s32 $0x15400;
	s4 =	sor.u32 s5, s4  }
0xa: {  	s13 =	simm.s32 $0x6;
	s2 =	simm.s32 $0x0;
	s6 =	sshll.u32 s4, $0x7  }
0xb: {  	[smem:$0x7FF] =	sst s2;
	s4 =	sshll.u32 s4, $0xF;
	s1 =	sadd.s32 s1, s6  }
0xc: {  	_ =	strace $0x80000047;
	s8 =	sadd.s32 s0, s4;
	[dreg:$0x4] =	wrdreg s1  }
0xd: {  	s7 =	sadd.s32 $0x700, s3;
	s0 =	sadd.s32 $0x1000, s8;
	[dreg:$0xc] =	wrdreg s8  }
0xe: {  	s21 =	ssub.s32 $0x2, s5;
	s22 =	sadd.s32 $0x2000, s8;
	[dreg:$0x5] =	wrdreg s0  }
0xf: {  	s5 =	sshrl.u32 s21, $0x1;
	s23 =	sadd.s32 $0x3000, s8;
	[dreg:$0x6] =	wrdreg s22  }
0x10: {  	s4 =	sadd.s32 $0x400, s3;
	s24 =	sadd.s32 $0x4000, s8;
	[dreg:$0x7] =	wrdreg s23  }
0x11: {  	s6 =	sadd.s32 $0x600, s3;
	s25 =	sadd.s32 $0x5000, s8;
	[dreg:$0x8] =	wrdreg s24  }
0x12: {  	s1 =	ssub.s32 s21, s5;
	s26 =	sadd.s32 $0x6000, s8;
	[dreg:$0x9] =	wrdreg s25  }
0x13: {  	s5 =	sadd.s32 $0x500, s3;
	s29 =	sadd.s32 $0x7000, s8;
	[dreg:$0xa] =	wrdreg s26  }
0x14: {  	v2 =	vlaneseq.u32;
	s3 =	simm.s32 $0x1;
	s21 =	simm.s32 $0x15C00;
	[dreg:$0xb] =	wrdreg s29  }
0x15: {  	vm0 =	vmmov $0xffff;
	v1 =	vshrl.u32 v2, $0x3;
	s8 =	smax.u32 s1, $0x1;
	s25 =	simm.s32 $0x5;
	s22 =	simm.s32 $0x16400  }
0x16: {  	v0 =	vand.u32 $0x7, v2;
	v2 =	vor.u32 $0x8, v2;
	v1 =	vmul.u32 $0x8, v1;
	s23 =	simm.s32 $0x16C00;
	s24 =	simm.s32 $0x17400;
	s26 =	simm.s32 $0x17C00  }
.LBB2_1:
0x17: {  	s29 =	rddreg [dreg:$0x4];
	s1 =	simm.s32 $0x7  }
0x18: {  	[tilespmem:s2], [sflag:$0x7] =	stream.linear.gather [hbm4b:s29+s2], $0x400, $0x38;
	[tilespmem:$0x18400] =	vst v63  }
0x19: {  	_ =	swait.ge [sflag:s1], $0x400  }
0x1a: {  	[sflag:s1] =	ssyncset.done $0x0  }
0x1b: {  	s0 =	rddreg [dreg:$0xc];
	[sflag:s1] =	ssyncadd.s32 $0xFFFFFC00  }
0x1c: {  	[tilespmem:s11], [sflag:$0x1] =	stream.linear.gather [hbm4b:s0+s2], $0x8000, $0x38;
	[tilespmem:$0x18400] =	vst v63  }
0x1d: {  	s29 =	rddreg [dreg:$0x5];
	s0 =	simm.s32 $0x8400  }
0x1e: {  	[tilespmem:s0], [sflag:$0x2] =	stream.linear.gather [hbm4b:s29+s2], $0x8000, $0x38;
	[tilespmem:$0x18400] =	vst v63  }
0x1f: {  	s1 =	rddreg [dreg:$0x6]  }
0x20: {  	[tilespmem:s10], [sflag:$0x3] =	stream.linear.gather [hbm4b:s1+s2], $0x8000, $0x38;
	[tilespmem:$0x18400] =	vst v63  }
0x21: {  	_ =	swait.ge [sflag:s3], $0x8000  }
0x22: {  	[sflag:s3] =	ssyncset.done $0x0  }
0x23: {  	[sflag:s3] =	ssyncadd.s32 $0xFFFF8000  }
0x24: {  	v3 =	vld [tilespmem:$0x0];
	_ =	sdelay $0x4  }
0x25: {  	v4 =	vshll.u32 v3, $0x3  }
0x26: {  	v3 =	vand.u32 $0x7, v3;
	v4 =	vand.u32 $0xFFFFFFC0, v4  }
0x27: {  	v3 =	vor.u32 v3, v4  }
0x28: {  	v4 =	vperm.xlane v3, v0;
	_ =	sdelay $0x1  }
0x29: {  	v4 =	vadd.s32 v1, v4;
	_ =	sdelay $0x4  }
0x2a: {  	[hbm4b:s4+s2] =	stream.indirect_vreg.scatter [tilespmem:s11], [sflag:$0x4], $0x80, v4, vm0, $0xb8;
	[tilespmem:$0x18400] =	vst v63  }
0x2b: {  	s29 =	simm.s32 $0xC00;
	v3 =	vperm.xlane v3, v2  }
0x2c: {  	[hbm4b:s5+s2] =	stream.indirect_vreg.scatter [tilespmem:s29], [sflag:$0x4], $0x80, v4, vm0, $0xb8;
	[tilespmem:$0x18400] =	vst v63  }
0x2d: {  	v3 =	vadd.s32 v1, v3;
	s29 =	simm.s32 $0x1400  }
0x2e: {  	[hbm4b:s6+s2] =	stream.indirect_vreg.scatter [tilespmem:s29], [sflag:$0x4], $0x80, v4, vm0, $0xb8;
	[tilespmem:$0x18400] =	vst v63  }
0x2f: {  	s29 =	simm.s32 $0x1C00  }
0x30: {  	[hbm4b:s7+s2] =	stream.indirect_vreg.scatter [tilespmem:s29], [sflag:$0x4], $0x80, v4, vm0, $0xb8;
	[tilespmem:$0x18400] =	vst v63  }
0x31: {  	s29 =	simm.s32 $0x2400  }
0x32: {  	[hbm4b:s4+s2] =	stream.indirect_vreg.scatter [tilespmem:s29], [sflag:$0x4], $0x80, v3, vm0, $0xb8;
	[tilespmem:$0x18400] =	vst v63  }
0x33: {  	s29 =	simm.s32 $0x2C00  }
0x34: {  	[hbm4b:s5+s2] =	stream.indirect_vreg.scatter [tilespmem:s29], [sflag:$0x4], $0x80, v3, vm0, $0xb8;
	[tilespmem:$0x18400] =	vst v63  }
0x35: {  	s29 =	simm.s32 $0x3400  }
0x36: {  	[hbm4b:s6+s2] =	stream.indirect_vreg.scatter [tilespmem:s29], [sflag:$0x4], $0x80, v3, vm0, $0xb8;
	[tilespmem:$0x18400] =	vst v63  }
0x37: {  	s29 =	simm.s32 $0x3C00  }
0x38: {  	[hbm4b:s7+s2] =	stream.indirect_vreg.scatter [tilespmem:s29], [sflag:$0x4], $0x80, v3, vm0, $0xb8;
	[tilespmem:$0x18400] =	vst v63  }
0x39: {  	v3 =	vld [tilespmem:$0x10];
	_ =	sdelay $0x4  }
0x3a: {  	v49 =	vshll.u32 v3, $0x3  }
0x3b: {  	v3 =	vand.u32 $0x7, v3;
	v4 =	vand.u32 $0xFFFFFFC0, v49  }
0x3c: {  	v3 =	vor.u32 v3, v4  }
0x3d: {  	v4 =	vperm.xlane v3, v0;
	_ =	sdelay $0x1  }
0x3e: {  	v4 =	vadd.s32 v1, v4;
	_ =	sdelay $0x3  }
0x3f: {  	s29 =	simm.s32 $0x4400  }
0x40: {  	[hbm4b:s4+s2] =	stream.indirect_vreg.scatter [tilespmem:s29], [sflag:$0x4], $0x80, v4, vm0, $0xb8;
	[tilespmem:$0x18400] =	vst v63  }
0x41: {  	v3 =	vperm.xlane v3, v2;
	s29 =	simm.s32 $0x4C00  }
0x42: {  	[hbm4b:s5+s2] =	stream.indirect_vreg.scatter [tilespmem:s29], [sflag:$0x4], $0x80, v4, vm0, $0xb8;
	[tilespmem:$0x18400] =	vst v63  }
0x43: {  	v3 =	vadd.s32 v1, v3;
	s29 =	simm.s32 $0x5400  }
0x44: {  	[hbm4b:s6+s2] =	stream.indirect_vreg.scatter [tilespmem:s29], [sflag:$0x4], $0x80, v4, vm0, $0xb8;
	[tilespmem:$0x18400] =	vst v63  }
0x45: {  	s29 =	simm.s32 $0x5C00  }
0x46: {  	[hbm4b:s7+s2] =	stream.indirect_vreg.scatter [tilespmem:s29], [sflag:$0x4], $0x80, v4, vm0, $0xb8;
	[tilespmem:$0x18400] =	vst v63  }
0x47: {  	s29 =	simm.s32 $0x6400  }
0x48: {  	[hbm4b:s4+s2] =	stream.indirect_vreg.scatter [tilespmem:s29], [sflag:$0x4], $0x80, v3, vm0, $0xb8;
	[tilespmem:$0x18400] =	vst v63  }
0x49: {  	s29 =	simm.s32 $0x6C00  }
0x4a: {  	[hbm4b:s5+s2] =	stream.indirect_vreg.scatter [tilespmem:s29], [sflag:$0x4], $0x80, v3, vm0, $0xb8;
	[tilespmem:$0x18400] =	vst v63  }
0x4b: {  	s29 =	simm.s32 $0x7400  }
0x4c: {  	[hbm4b:s6+s2] =	stream.indirect_vreg.scatter [tilespmem:s29], [sflag:$0x4], $0x80, v3, vm0, $0xb8;
	[tilespmem:$0x18400] =	vst v63  }
0x4d: {  	s29 =	simm.s32 $0x7C00  }
0x4e: {  	[hbm4b:s7+s2] =	stream.indirect_vreg.scatter [tilespmem:s29], [sflag:$0x4], $0x80, v3, vm0, $0xb8;
	[tilespmem:$0x18400] =	vst v63  }
0x4f: {  	_ =	swait.ge [sflag:s30], $0x8000  }
0x50: {  	[sflag:s30] =	ssyncset.done $0x0  }
0x51: {  	s29 =	rddreg [dreg:$0x7];
	[sflag:s30] =	ssyncadd.s32 $0xFFFF8000  }
0x52: {  	[tilespmem:s11], [sflag:$0x1] =	stream.linear.gather [hbm4b:s29+s2], $0x8000, $0x38;
	[tilespmem:$0x18400] =	vst v63  }
0x53: {  	_ =	swait.ge [sflag:s31], $0x8000  }
0x54: {  	[sflag:s31] =	ssyncset.done $0x0  }
0x55: {  	[sflag:s31] =	ssyncadd.s32 $0xFFFF8000  }
0x56: {  	v3 =	vld [tilespmem:$0x80];
	_ =	sdelay $0x4  }
0x57: {  	v50 =	vshll.u32 v3, $0x3  }
0x58: {  	v3 =	vand.u32 $0x7, v3;
	v4 =	vand.u32 $0xFFFFFFC0, v50  }
0x59: {  	v3 =	vor.u32 v3, v4  }
0x5a: {  	v4 =	vperm.xlane v3, v0;
	_ =	sdelay $0x1  }
0x5b: {  	v4 =	vadd.s32 v1, v4;
	_ =	sdelay $0x4  }
0x5c: {  	[hbm4b:s4+s2] =	stream.indirect_vreg.scatter [tilespmem:s0], [sflag:$0x5], $0x80, v4, vm0, $0xb8;
	[tilespmem:$0x18400] =	vst v63  }
0x5d: {  	s29 =	simm.s32 $0x8C00;
	v3 =	vperm.xlane v3, v2  }
0x5e: {  	[hbm4b:s5+s2] =	stream.indirect_vreg.scatter [tilespmem:s29], [sflag:$0x5], $0x80, v4, vm0, $0xb8;
	[tilespmem:$0x18400] =	vst v63  }
0x5f: {  	v3 =	vadd.s32 v1, v3;
	s29 =	simm.s32 $0x9400  }
0x60: {  	[hbm4b:s6+s2] =	stream.indirect_vreg.scatter [tilespmem:s29], [sflag:$0x5], $0x80, v4, vm0, $0xb8;
	[tilespmem:$0x18400] =	vst v63  }
0x61: {  	s29 =	simm.s32 $0x9C00  }
0x62: {  	[hbm4b:s7+s2] =	stream.indirect_vreg.scatter [tilespmem:s29], [sflag:$0x5], $0x80, v4, vm0, $0xb8;
	[tilespmem:$0x18400] =	vst v63  }
0x63: {  	s29 =	simm.s32 $0xA400  }
0x64: {  	[hbm4b:s4+s2] =	stream.indirect_vreg.scatter [tilespmem:s29], [sflag:$0x5], $0x80, v3, vm0, $0xb8;
	[tilespmem:$0x18400] =	vst v63  }
0x65: {  	s29 =	simm.s32 $0xAC00  }
0x66: {  	[hbm4b:s5+s2] =	stream.indirect_vreg.scatter [tilespmem:s29], [sflag:$0x5], $0x80, v3, vm0, $0xb8;
	[tilespmem:$0x18400] =	vst v63  }
0x67: {  	s29 =	simm.s32 $0xB400  }
0x68: {  	[hbm4b:s6+s2] =	stream.indirect_vreg.scatter [tilespmem:s29], [sflag:$0x5], $0x80, v3, vm0, $0xb8;
	[tilespmem:$0x18400] =	vst v63  }
0x69: {  	s29 =	simm.s32 $0xBC00  }
0x6a: {  	[hbm4b:s7+s2] =	stream.indirect_vreg.scatter [tilespmem:s29], [sflag:$0x5], $0x80, v3, vm0, $0xb8;
	[tilespmem:$0x18400] =	vst v63  }
0x6b: {  	v3 =	vld [tilespmem:$0x90];
	_ =	sdelay $0x4  }
0x6c: {  	v51 =	vshll.u32 v3, $0x3  }
0x6d: {  	v3 =	vand.u32 $0x7, v3;
	v4 =	vand.u32 $0xFFFFFFC0, v51  }
0x6e: {  	v3 =	vor.u32 v3, v4  }
0x6f: {  	v4 =	vperm.xlane v3, v0;
	_ =	sdelay $0x1  }
0x70: {  	v4 =	vadd.s32 v1, v4;
	_ =	sdelay $0x3  }
0x71: {  	s29 =	simm.s32 $0xC400  }
0x72: {  	[hbm4b:s4+s2] =	stream.indirect_vreg.scatter [tilespmem:s29], [sflag:$0x5], $0x80, v4, vm0, $0xb8;
	[tilespmem:$0x18400] =	vst v63  }
0x73: {  	v3 =	vperm.xlane v3, v2;
	s29 =	simm.s32 $0xCC00  }
0x74: {  	[hbm4b:s5+s2] =	stream.indirect_vreg.scatter [tilespmem:s29], [sflag:$0x5], $0x80, v4, vm0, $0xb8;
	[tilespmem:$0x18400] =	vst v63  }
0x75: {  	v3 =	vadd.s32 v1, v3;
	s29 =	simm.s32 $0xD400  }
0x76: {  	[hbm4b:s6+s2] =	stream.indirect_vreg.scatter [tilespmem:s29], [sflag:$0x5], $0x80, v4, vm0, $0xb8;
	[tilespmem:$0x18400] =	vst v63  }
0x77: {  	s29 =	simm.s32 $0xDC00  }
0x78: {  	[hbm4b:s7+s2] =	stream.indirect_vreg.scatter [tilespmem:s29], [sflag:$0x5], $0x80, v4, vm0, $0xb8;
	[tilespmem:$0x18400] =	vst v63  }
0x79: {  	s29 =	simm.s32 $0xE400  }
0x7a: {  	[hbm4b:s4+s2] =	stream.indirect_vreg.scatter [tilespmem:s29], [sflag:$0x5], $0x80, v3, vm0, $0xb8;
	[tilespmem:$0x18400] =	vst v63  }
0x7b: {  	s29 =	simm.s32 $0xEC00  }
0x7c: {  	[hbm4b:s5+s2] =	stream.indirect_vreg.scatter [tilespmem:s29], [sflag:$0x5], $0x80, v3, vm0, $0xb8;
	[tilespmem:$0x18400] =	vst v63  }
0x7d: {  	s29 =	simm.s32 $0xF400  }
0x7e: {  	[hbm4b:s6+s2] =	stream.indirect_vreg.scatter [tilespmem:s29], [sflag:$0x5], $0x80, v3, vm0, $0xb8;
	[tilespmem:$0x18400] =	vst v63  }
0x7f: {  	s29 =	simm.s32 $0xFC00  }
0x80: {  	[hbm4b:s7+s2] =	stream.indirect_vreg.scatter [tilespmem:s29], [sflag:$0x5], $0x80, v3, vm0, $0xb8;
	[tilespmem:$0x18400] =	vst v63  }
0x81: {  	_ =	swait.ge [sflag:s25], $0x8000  }
0x82: {  	[sflag:s25] =	ssyncset.done $0x0  }
0x83: {  	s29 =	rddreg [dreg:$0x8];
	[sflag:s25] =	ssyncadd.s32 $0xFFFF8000  }
0x84: {  	[tilespmem:s0], [sflag:$0x2] =	stream.linear.gather [hbm4b:s29+s2], $0x8000, $0x38;
	[tilespmem:$0x18400] =	vst v63  }
0x85: {  	_ =	swait.ge [sflag:s28], $0x8000  }
0x86: {  	[sflag:s28] =	ssyncset.done $0x0  }
0x87: {  	[sflag:s28] =	ssyncadd.s32 $0xFFFF8000  }
0x88: {  	v3 =	vld [tilespmem:$0x100];
	_ =	sdelay $0x4  }
0x89: {  	v52 =	vshll.u32 v3, $0x3  }
0x8a: {  	v3 =	vand.u32 $0x7, v3;
	v4 =	vand.u32 $0xFFFFFFC0, v52  }
0x8b: {  	v3 =	vor.u32 v3, v4  }
0x8c: {  	v4 =	vperm.xlane v3, v0;
	_ =	sdelay $0x1  }
0x8d: {  	v4 =	vadd.s32 v1, v4;
	_ =	sdelay $0x4  }
0x8e: {  	[hbm4b:s4+s2] =	stream.indirect_vreg.scatter [tilespmem:s10], [sflag:$0x6], $0x80, v4, vm0, $0xb8;
	[tilespmem:$0x18400] =	vst v63  }
0x8f: {  	s29 =	simm.s32 $0x10C00;
	v3 =	vperm.xlane v3, v2  }
0x90: {  	[hbm4b:s5+s2] =	stream.indirect_vreg.scatter [tilespmem:s29], [sflag:$0x6], $0x80, v4, vm0, $0xb8;
	[tilespmem:$0x18400] =	vst v63  }
0x91: {  	v3 =	vadd.s32 v1, v3  }
0x92: {  	[hbm4b:s6+s2] =	stream.indirect_vreg.scatter [tilespmem:s9], [sflag:$0x6], $0x80, v4, vm0, $0xb8;
	[tilespmem:$0x18400] =	vst v63  }
0x93: {  	_ = 	snop  }
0x94: {  	[hbm4b:s7+s2] =	stream.indirect_vreg.scatter [tilespmem:s12], [sflag:$0x6], $0x80, v4, vm0, $0xb8;
	[tilespmem:$0x18400] =	vst v63  }
0x95: {  	_ = 	snop  }
0x96: {  	[hbm4b:s4+s2] =	stream.indirect_vreg.scatter [tilespmem:s14], [sflag:$0x6], $0x80, v3, vm0, $0xb8;
	[tilespmem:$0x18400] =	vst v63  }
0x97: {  	_ = 	snop  }
0x98: {  	[hbm4b:s5+s2] =	stream.indirect_vreg.scatter [tilespmem:s15], [sflag:$0x6], $0x80, v3, vm0, $0xb8;
	[tilespmem:$0x18400] =	vst v63  }
0x99: {  	_ = 	snop  }
0x9a: {  	[hbm4b:s6+s2] =	stream.indirect_vreg.scatter [tilespmem:s16], [sflag:$0x6], $0x80, v3, vm0, $0xb8;
	[tilespmem:$0x18400] =	vst v63  }
0x9b: {  	_ = 	snop  }
0x9c: {  	[hbm4b:s7+s2] =	stream.indirect_vreg.scatter [tilespmem:s17], [sflag:$0x6], $0x80, v3, vm0, $0xb8;
	[tilespmem:$0x18400] =	vst v63  }
0x9d: {  	v3 =	vld [tilespmem:$0x110];
	_ =	sdelay $0x4  }
0x9e: {  	v53 =	vshll.u32 v3, $0x3  }
0x9f: {  	v3 =	vand.u32 $0x7, v3;
	v4 =	vand.u32 $0xFFFFFFC0, v53  }
0xa0: {  	v3 =	vor.u32 v3, v4  }
0xa1: {  	v4 =	vperm.xlane v3, v0;
	_ =	sdelay $0x1  }
0xa2: {  	v4 =	vadd.s32 v1, v4;
	_ =	sdelay $0x4  }
0xa3: {  	[hbm4b:s4+s2] =	stream.indirect_vreg.scatter [tilespmem:s18], [sflag:$0x6], $0x80, v4, vm0, $0xb8;
	[tilespmem:$0x18400] =	vst v63  }
0xa4: {  	v3 =	vperm.xlane v3, v2  }
0xa5: {  	[hbm4b:s5+s2] =	stream.indirect_vreg.scatter [tilespmem:s19], [sflag:$0x6], $0x80, v4, vm0, $0xb8;
	[tilespmem:$0x18400] =	vst v63  }
0xa6: {  	v3 =	vadd.s32 v1, v3  }
0xa7: {  	[hbm4b:s6+s2] =	stream.indirect_vreg.scatter [tilespmem:s20], [sflag:$0x6], $0x80, v4, vm0, $0xb8;
	[tilespmem:$0x18400] =	vst v63  }
0xa8: {  	_ = 	snop  }
0xa9: {  	[hbm4b:s7+s2] =	stream.indirect_vreg.scatter [tilespmem:s21], [sflag:$0x6], $0x80, v4, vm0, $0xb8;
	[tilespmem:$0x18400] =	vst v63  }
0xaa: {  	_ = 	snop  }
0xab: {  	[hbm4b:s4+s2] =	stream.indirect_vreg.scatter [tilespmem:s22], [sflag:$0x6], $0x80, v3, vm0, $0xb8;
	[tilespmem:$0x18400] =	vst v63  }
0xac: {  	_ = 	snop  }
0xad: {  	[hbm4b:s5+s2] =	stream.indirect_vreg.scatter [tilespmem:s23], [sflag:$0x6], $0x80, v3, vm0, $0xb8;
	[tilespmem:$0x18400] =	vst v63  }
0xae: {  	_ = 	snop  }
0xaf: {  	[hbm4b:s6+s2] =	stream.indirect_vreg.scatter [tilespmem:s24], [sflag:$0x6], $0x80, v3, vm0, $0xb8;
	[tilespmem:$0x18400] =	vst v63  }
0xb0: {  	_ = 	snop  }
0xb1: {  	[hbm4b:s7+s2] =	stream.indirect_vreg.scatter [tilespmem:s26], [sflag:$0x6], $0x80, v3, vm0, $0xb8;
	[tilespmem:$0x18400] =	vst v63  }
0xb2: {  	_ =	swait.ge [sflag:s13], $0x8000  }
0xb3: {  	[sflag:s13] =	ssyncset.done $0x0  }
0xb4: {  	s1 =	rddreg [dreg:$0x9];
	[sflag:s13] =	ssyncadd.s32 $0xFFFF8000  }
0xb5: {  	[tilespmem:s10], [sflag:$0x3] =	stream.linear.gather [hbm4b:s1+s2], $0x8000, $0x38;
	[tilespmem:$0x18400] =	vst v63  }
0xb6: {  	_ =	swait.ge [sflag:s3], $0x8000  }
0xb7: {  	[sflag:s3] =	ssyncset.done $0x0  }
0xb8: {  	[sflag:s3] =	ssyncadd.s32 $0xFFFF8000  }
0xb9: {  	v3 =	vld [tilespmem:$0x180];
	_ =	sdelay $0x4  }
0xba: {  	v54 =	vshll.u32 v3, $0x3  }
0xbb: {  	v3 =	vand.u32 $0x7, v3;
	v4 =	vand.u32 $0xFFFFFFC0, v54  }
0xbc: {  	v3 =	vor.u32 v3, v4  }
0xbd: {  	v4 =	vperm.xlane v3, v0;
	_ =	sdelay $0x1  }
0xbe: {  	v4 =	vadd.s32 v1, v4;
	_ =	sdelay $0x4  }
0xbf: {  	[hbm4b:s4+s2] =	stream.indirect_vreg.scatter [tilespmem:s11], [sflag:$0x4], $0x80, v4, vm0, $0xb8;
	[tilespmem:$0x18400] =	vst v63  }
0xc0: {  	s1 =	simm.s32 $0xC00;
	v3 =	vperm.xlane v3, v2  }
0xc1: {  	[hbm4b:s5+s2] =	stream.indirect_vreg.scatter [tilespmem:s1], [sflag:$0x4], $0x80, v4, vm0, $0xb8;
	[tilespmem:$0x18400] =	vst v63  }
0xc2: {  	v3 =	vadd.s32 v1, v3;
	s1 =	simm.s32 $0x1400  }
0xc3: {  	[hbm4b:s6+s2] =	stream.indirect_vreg.scatter [tilespmem:s1], [sflag:$0x4], $0x80, v4, vm0, $0xb8;
	[tilespmem:$0x18400] =	vst v63  }
0xc4: {  	s1 =	simm.s32 $0x1C00  }
0xc5: {  	[hbm4b:s7+s2] =	stream.indirect_vreg.scatter [tilespmem:s1], [sflag:$0x4], $0x80, v4, vm0, $0xb8;
	[tilespmem:$0x18400] =	vst v63  }
0xc6: {  	s1 =	simm.s32 $0x2400  }
0xc7: {  	[hbm4b:s4+s2] =	stream.indirect_vreg.scatter [tilespmem:s1], [sflag:$0x4], $0x80, v3, vm0, $0xb8;
	[tilespmem:$0x18400] =	vst v63  }
0xc8: {  	s1 =	simm.s32 $0x2C00  }
0xc9: {  	[hbm4b:s5+s2] =	stream.indirect_vreg.scatter [tilespmem:s1], [sflag:$0x4], $0x80, v3, vm0, $0xb8;
	[tilespmem:$0x18400] =	vst v63  }
0xca: {  	s1 =	simm.s32 $0x3400  }
0xcb: {  	[hbm4b:s6+s2] =	stream.indirect_vreg.scatter [tilespmem:s1], [sflag:$0x4], $0x80, v3, vm0, $0xb8;
	[tilespmem:$0x18400] =	vst v63  }
0xcc: {  	s1 =	simm.s32 $0x3C00  }
0xcd: {  	[hbm4b:s7+s2] =	stream.indirect_vreg.scatter [tilespmem:s1], [sflag:$0x4], $0x80, v3, vm0, $0xb8;
	[tilespmem:$0x18400] =	vst v63  }
0xce: {  	v3 =	vld [tilespmem:$0x190];
	_ =	sdelay $0x4  }
0xcf: {  	v55 =	vshll.u32 v3, $0x3  }
0xd0: {  	v3 =	vand.u32 $0x7, v3;
	v4 =	vand.u32 $0xFFFFFFC0, v55  }
0xd1: {  	v3 =	vor.u32 v3, v4  }
0xd2: {  	v4 =	vperm.xlane v3, v0;
	_ =	sdelay $0x1  }
0xd3: {  	v4 =	vadd.s32 v1, v4;
	_ =	sdelay $0x3  }
0xd4: {  	s1 =	simm.s32 $0x4400  }
0xd5: {  	[hbm4b:s4+s2] =	stream.indirect_vreg.scatter [tilespmem:s1], [sflag:$0x4], $0x80, v4, vm0, $0xb8;
	[tilespmem:$0x18400] =	vst v63  }
0xd6: {  	v3 =	vperm.xlane v3, v2;
	s1 =	simm.s32 $0x4C00  }
0xd7: {  	[hbm4b:s5+s2] =	stream.indirect_vreg.scatter [tilespmem:s1], [sflag:$0x4], $0x80, v4, vm0, $0xb8;
	[tilespmem:$0x18400] =	vst v63  }
0xd8: {  	v3 =	vadd.s32 v1, v3;
	s1 =	simm.s32 $0x5400  }
0xd9: {  	[hbm4b:s6+s2] =	stream.indirect_vreg.scatter [tilespmem:s1], [sflag:$0x4], $0x80, v4, vm0, $0xb8;
	[tilespmem:$0x18400] =	vst v63  }
0xda: {  	s1 =	simm.s32 $0x5C00  }
0xdb: {  	[hbm4b:s7+s2] =	stream.indirect_vreg.scatter [tilespmem:s1], [sflag:$0x4], $0x80, v4, vm0, $0xb8;
	[tilespmem:$0x18400] =	vst v63  }
0xdc: {  	s1 =	simm.s32 $0x6400  }
0xdd: {  	[hbm4b:s4+s2] =	stream.indirect_vreg.scatter [tilespmem:s1], [sflag:$0x4], $0x80, v3, vm0, $0xb8;
	[tilespmem:$0x18400] =	vst v63  }
0xde: {  	s1 =	simm.s32 $0x6C00  }
0xdf: {  	[hbm4b:s5+s2] =	stream.indirect_vreg.scatter [tilespmem:s1], [sflag:$0x4], $0x80, v3, vm0, $0xb8;
	[tilespmem:$0x18400] =	vst v63  }
0xe0: {  	s1 =	simm.s32 $0x7400  }
0xe1: {  	[hbm4b:s6+s2] =	stream.indirect_vreg.scatter [tilespmem:s1], [sflag:$0x4], $0x80, v3, vm0, $0xb8;
	[tilespmem:$0x18400] =	vst v63  }
0xe2: {  	s1 =	simm.s32 $0x7C00  }
0xe3: {  	[hbm4b:s7+s2] =	stream.indirect_vreg.scatter [tilespmem:s1], [sflag:$0x4], $0x80, v3, vm0, $0xb8;
	[tilespmem:$0x18400] =	vst v63  }
0xe4: {  	_ =	swait.ge [sflag:s30], $0x8000  }
0xe5: {  	[sflag:s30] =	ssyncset.done $0x0  }
0xe6: {  	s1 =	rddreg [dreg:$0xa];
	[sflag:s30] =	ssyncadd.s32 $0xFFFF8000  }
0xe7: {  	[tilespmem:s11], [sflag:$0x1] =	stream.linear.gather [hbm4b:s1+s2], $0x8000, $0x38;
	[tilespmem:$0x18400] =	vst v63  }
0xe8: {  	_ =	swait.ge [sflag:s31], $0x8000  }
0xe9: {  	[sflag:s31] =	ssyncset.done $0x0  }
0xea: {  	[sflag:s31] =	ssyncadd.s32 $0xFFFF8000  }
0xeb: {  	v3 =	vld [tilespmem:$0x200];
	_ =	sdelay $0x4  }
0xec: {  	v56 =	vshll.u32 v3, $0x3  }
0xed: {  	v3 =	vand.u32 $0x7, v3;
	v4 =	vand.u32 $0xFFFFFFC0, v56  }
0xee: {  	v3 =	vor.u32 v3, v4  }
0xef: {  	v4 =	vperm.xlane v3, v0;
	_ =	sdelay $0x1  }
0xf0: {  	v4 =	vadd.s32 v1, v4;
	_ =	sdelay $0x4  }
0xf1: {  	[hbm4b:s4+s2] =	stream.indirect_vreg.scatter [tilespmem:s0], [sflag:$0x5], $0x80, v4, vm0, $0xb8;
	[tilespmem:$0x18400] =	vst v63  }
0xf2: {  	s1 =	simm.s32 $0x8C00;
	v3 =	vperm.xlane v3, v2  }
0xf3: {  	[hbm4b:s5+s2] =	stream.indirect_vreg.scatter [tilespmem:s1], [sflag:$0x5], $0x80, v4, vm0, $0xb8;
	[tilespmem:$0x18400] =	vst v63  }
0xf4: {  	v3 =	vadd.s32 v1, v3;
	s1 =	simm.s32 $0x9400  }
0xf5: {  	[hbm4b:s6+s2] =	stream.indirect_vreg.scatter [tilespmem:s1], [sflag:$0x5], $0x80, v4, vm0, $0xb8;
	[tilespmem:$0x18400] =	vst v63  }
0xf6: {  	s1 =	simm.s32 $0x9C00  }
0xf7: {  	[hbm4b:s7+s2] =	stream.indirect_vreg.scatter [tilespmem:s1], [sflag:$0x5], $0x80, v4, vm0, $0xb8;
	[tilespmem:$0x18400] =	vst v63  }
0xf8: {  	s1 =	simm.s32 $0xA400  }
0xf9: {  	[hbm4b:s4+s2] =	stream.indirect_vreg.scatter [tilespmem:s1], [sflag:$0x5], $0x80, v3, vm0, $0xb8;
	[tilespmem:$0x18400] =	vst v63  }
0xfa: {  	s1 =	simm.s32 $0xAC00  }
0xfb: {  	[hbm4b:s5+s2] =	stream.indirect_vreg.scatter [tilespmem:s1], [sflag:$0x5], $0x80, v3, vm0, $0xb8;
	[tilespmem:$0x18400] =	vst v63  }
0xfc: {  	s1 =	simm.s32 $0xB400  }
0xfd: {  	[hbm4b:s6+s2] =	stream.indirect_vreg.scatter [tilespmem:s1], [sflag:$0x5], $0x80, v3, vm0, $0xb8;
	[tilespmem:$0x18400] =	vst v63  }
0xfe: {  	s1 =	simm.s32 $0xBC00  }
0xff: {  	[hbm4b:s7+s2] =	stream.indirect_vreg.scatter [tilespmem:s1], [sflag:$0x5], $0x80, v3, vm0, $0xb8;
	[tilespmem:$0x18400] =	vst v63  }
0x100: {  	v3 =	vld [tilespmem:$0x210];
	_ =	sdelay $0x4  }
0x101: {  	v57 =	vshll.u32 v3, $0x3  }
0x102: {  	v3 =	vand.u32 $0x7, v3;
	v4 =	vand.u32 $0xFFFFFFC0, v57  }
0x103: {  	v3 =	vor.u32 v3, v4  }
0x104: {  	v4 =	vperm.xlane v3, v0;
	_ =	sdelay $0x1  }
0x105: {  	v4 =	vadd.s32 v1, v4;
	_ =	sdelay $0x3  }
0x106: {  	s1 =	simm.s32 $0xC400  }
0x107: {  	[hbm4b:s4+s2] =	stream.indirect_vreg.scatter [tilespmem:s1], [sflag:$0x5], $0x80, v4, vm0, $0xb8;
	[tilespmem:$0x18400] =	vst v63  }
0x108: {  	v3 =	vperm.xlane v3, v2;
	s1 =	simm.s32 $0xCC00  }
0x109: {  	[hbm4b:s5+s2] =	stream.indirect_vreg.scatter [tilespmem:s1], [sflag:$0x5], $0x80, v4, vm0, $0xb8;
	[tilespmem:$0x18400] =	vst v63  }
0x10a: {  	v3 =	vadd.s32 v1, v3;
	s1 =	simm.s32 $0xD400  }
0x10b: {  	[hbm4b:s6+s2] =	stream.indirect_vreg.scatter [tilespmem:s1], [sflag:$0x5], $0x80, v4, vm0, $0xb8;
	[tilespmem:$0x18400] =	vst v63  }
0x10c: {  	s1 =	simm.s32 $0xDC00  }
0x10d: {  	[hbm4b:s7+s2] =	stream.indirect_vreg.scatter [tilespmem:s1], [sflag:$0x5], $0x80, v4, vm0, $0xb8;
	[tilespmem:$0x18400] =	vst v63  }
0x10e: {  	s1 =	simm.s32 $0xE400  }
0x10f: {  	[hbm4b:s4+s2] =	stream.indirect_vreg.scatter [tilespmem:s1], [sflag:$0x5], $0x80, v3, vm0, $0xb8;
	[tilespmem:$0x18400] =	vst v63  }
0x110: {  	s1 =	simm.s32 $0xEC00  }
0x111: {  	[hbm4b:s5+s2] =	stream.indirect_vreg.scatter [tilespmem:s1], [sflag:$0x5], $0x80, v3, vm0, $0xb8;
	[tilespmem:$0x18400] =	vst v63  }
0x112: {  	s1 =	simm.s32 $0xF400  }
0x113: {  	[hbm4b:s6+s2] =	stream.indirect_vreg.scatter [tilespmem:s1], [sflag:$0x5], $0x80, v3, vm0, $0xb8;
	[tilespmem:$0x18400] =	vst v63  }
0x114: {  	s1 =	simm.s32 $0xFC00  }
0x115: {  	[hbm4b:s7+s2] =	stream.indirect_vreg.scatter [tilespmem:s1], [sflag:$0x5], $0x80, v3, vm0, $0xb8;
	[tilespmem:$0x18400] =	vst v63  }
0x116: {  	_ =	swait.ge [sflag:s25], $0x8000  }
0x117: {  	[sflag:s25] =	ssyncset.done $0x0  }
0x118: {  	s1 =	rddreg [dreg:$0xb];
	[sflag:s25] =	ssyncadd.s32 $0xFFFF8000  }
0x119: {  	[tilespmem:s0], [sflag:$0x2] =	stream.linear.gather [hbm4b:s1+s2], $0x8000, $0x38;
	[tilespmem:$0x18400] =	vst v63  }
0x11a: {  	_ =	swait.ge [sflag:s28], $0x8000  }
0x11b: {  	[sflag:s28] =	ssyncset.done $0x0  }
0x11c: {  	[sflag:s28] =	ssyncadd.s32 $0xFFFF8000  }
0x11d: {  	v3 =	vld [tilespmem:$0x280];
	_ =	sdelay $0x4  }
0x11e: {  	v58 =	vshll.u32 v3, $0x3  }
0x11f: {  	v3 =	vand.u32 $0x7, v3;
	v4 =	vand.u32 $0xFFFFFFC0, v58  }
0x120: {  	v3 =	vor.u32 v3, v4  }
0x121: {  	v4 =	vperm.xlane v3, v0;
	_ =	sdelay $0x1  }
0x122: {  	v4 =	vadd.s32 v1, v4;
	_ =	sdelay $0x4  }
0x123: {  	[hbm4b:s4+s2] =	stream.indirect_vreg.scatter [tilespmem:s10], [sflag:$0x6], $0x80, v4, vm0, $0xb8;
	[tilespmem:$0x18400] =	vst v63  }
0x124: {  	v3 =	vperm.xlane v3, v2  }
0x125: {  	[hbm4b:s5+s2] =	stream.indirect_vreg.scatter [tilespmem:s29], [sflag:$0x6], $0x80, v4, vm0, $0xb8;
	[tilespmem:$0x18400] =	vst v63  }
0x126: {  	v3 =	vadd.s32 v1, v3  }
0x127: {  	[hbm4b:s6+s2] =	stream.indirect_vreg.scatter [tilespmem:s9], [sflag:$0x6], $0x80, v4, vm0, $0xb8;
	[tilespmem:$0x18400] =	vst v63  }
0x128: {  	_ = 	snop  }
0x129: {  	[hbm4b:s7+s2] =	stream.indirect_vreg.scatter [tilespmem:s12], [sflag:$0x6], $0x80, v4, vm0, $0xb8;
	[tilespmem:$0x18400] =	vst v63  }
0x12a: {  	_ = 	snop  }
0x12b: {  	[hbm4b:s4+s2] =	stream.indirect_vreg.scatter [tilespmem:s14], [sflag:$0x6], $0x80, v3, vm0, $0xb8;
	[tilespmem:$0x18400] =	vst v63  }
0x12c: {  	_ = 	snop  }
0x12d: {  	[hbm4b:s5+s2] =	stream.indirect_vreg.scatter [tilespmem:s15], [sflag:$0x6], $0x80, v3, vm0, $0xb8;
	[tilespmem:$0x18400] =	vst v63  }
0x12e: {  	_ = 	snop  }
0x12f: {  	[hbm4b:s6+s2] =	stream.indirect_vreg.scatter [tilespmem:s16], [sflag:$0x6], $0x80, v3, vm0, $0xb8;
	[tilespmem:$0x18400] =	vst v63  }
0x130: {  	_ = 	snop  }
0x131: {  	[hbm4b:s7+s2] =	stream.indirect_vreg.scatter [tilespmem:s17], [sflag:$0x6], $0x80, v3, vm0, $0xb8;
	[tilespmem:$0x18400] =	vst v63  }
0x132: {  	v3 =	vld [tilespmem:$0x290];
	_ =	sdelay $0x4  }
0x133: {  	v59 =	vshll.u32 v3, $0x3  }
0x134: {  	v3 =	vand.u32 $0x7, v3;
	v4 =	vand.u32 $0xFFFFFFC0, v59  }
0x135: {  	v3 =	vor.u32 v3, v4  }
0x136: {  	v4 =	vperm.xlane v3, v0;
	_ =	sdelay $0x1  }
0x137: {  	v4 =	vadd.s32 v1, v4;
	_ =	sdelay $0x4  }
0x138: {  	[hbm4b:s4+s2] =	stream.indirect_vreg.scatter [tilespmem:s18], [sflag:$0x6], $0x80, v4, vm0, $0xb8;
	[tilespmem:$0x18400] =	vst v63  }
0x139: {  	v3 =	vperm.xlane v3, v2  }
0x13a: {  	[hbm4b:s5+s2] =	stream.indirect_vreg.scatter [tilespmem:s19], [sflag:$0x6], $0x80, v4, vm0, $0xb8;
	[tilespmem:$0x18400] =	vst v63  }
0x13b: {  	v3 =	vadd.s32 v1, v3  }
0x13c: {  	[hbm4b:s6+s2] =	stream.indirect_vreg.scatter [tilespmem:s20], [sflag:$0x6], $0x80, v4, vm0, $0xb8;
	[tilespmem:$0x18400] =	vst v63  }
0x13d: {  	_ = 	snop  }
0x13e: {  	[hbm4b:s7+s2] =	stream.indirect_vreg.scatter [tilespmem:s21], [sflag:$0x6], $0x80, v4, vm0, $0xb8;
	[tilespmem:$0x18400] =	vst v63  }
0x13f: {  	_ = 	snop  }
0x140: {  	[hbm4b:s4+s2] =	stream.indirect_vreg.scatter [tilespmem:s22], [sflag:$0x6], $0x80, v3, vm0, $0xb8;
	[tilespmem:$0x18400] =	vst v63  }
0x141: {  	_ = 	snop  }
0x142: {  	[hbm4b:s5+s2] =	stream.indirect_vreg.scatter [tilespmem:s23], [sflag:$0x6], $0x80, v3, vm0, $0xb8;
	[tilespmem:$0x18400] =	vst v63  }
0x143: {  	_ = 	snop  }
0x144: {  	[hbm4b:s6+s2] =	stream.indirect_vreg.scatter [tilespmem:s24], [sflag:$0x6], $0x80, v3, vm0, $0xb8;
	[tilespmem:$0x18400] =	vst v63  }
0x145: {  	_ = 	snop  }
0x146: {  	[hbm4b:s7+s2] =	stream.indirect_vreg.scatter [tilespmem:s26], [sflag:$0x6], $0x80, v3, vm0, $0xb8;
	[tilespmem:$0x18400] =	vst v63  }
0x147: {  	_ =	swait.ge [sflag:s3], $0x8000  }
0x148: {  	[sflag:s3] =	ssyncset.done $0x0  }
0x149: {  	[sflag:s3] =	ssyncadd.s32 $0xFFFF8000  }
0x14a: {  	v3 =	vld [tilespmem:$0x300];
	_ =	sdelay $0x4  }
0x14b: {  	v60 =	vshll.u32 v3, $0x3  }
0x14c: {  	v3 =	vand.u32 $0x7, v3;
	v4 =	vand.u32 $0xFFFFFFC0, v60  }
0x14d: {  	v3 =	vor.u32 v3, v4  }
0x14e: {  	v4 =	vperm.xlane v3, v0;
	_ =	sdelay $0x1  }
0x14f: {  	v4 =	vadd.s32 v1, v4;
	_ =	sdelay $0x4  }
0x150: {  	[hbm4b:s4+s2] =	stream.indirect_vreg.scatter [tilespmem:s11], [sflag:$0x4], $0x80, v4, vm0, $0xb8;
	[tilespmem:$0x18400] =	vst v63  }
0x151: {  	s29 =	simm.s32 $0xC00;
	v3 =	vperm.xlane v3, v2  }
0x152: {  	[hbm4b:s5+s2] =	stream.indirect_vreg.scatter [tilespmem:s29], [sflag:$0x4], $0x80, v4, vm0, $0xb8;
	[tilespmem:$0x18400] =	vst v63  }
0x153: {  	v3 =	vadd.s32 v1, v3;
	s29 =	simm.s32 $0x1400  }
0x154: {  	[hbm4b:s6+s2] =	stream.indirect_vreg.scatter [tilespmem:s29], [sflag:$0x4], $0x80, v4, vm0, $0xb8;
	[tilespmem:$0x18400] =	vst v63  }
0x155: {  	s29 =	simm.s32 $0x1C00  }
0x156: {  	[hbm4b:s7+s2] =	stream.indirect_vreg.scatter [tilespmem:s29], [sflag:$0x4], $0x80, v4, vm0, $0xb8;
	[tilespmem:$0x18400] =	vst v63  }
0x157: {  	s29 =	simm.s32 $0x2400  }
0x158: {  	[hbm4b:s4+s2] =	stream.indirect_vreg.scatter [tilespmem:s29], [sflag:$0x4], $0x80, v3, vm0, $0xb8;
	[tilespmem:$0x18400] =	vst v63  }
0x159: {  	s29 =	simm.s32 $0x2C00  }
0x15a: {  	[hbm4b:s5+s2] =	stream.indirect_vreg.scatter [tilespmem:s29], [sflag:$0x4], $0x80, v3, vm0, $0xb8;
	[tilespmem:$0x18400] =	vst v63  }
0x15b: {  	s29 =	simm.s32 $0x3400  }
0x15c: {  	[hbm4b:s6+s2] =	stream.indirect_vreg.scatter [tilespmem:s29], [sflag:$0x4], $0x80, v3, vm0, $0xb8;
	[tilespmem:$0x18400] =	vst v63  }
0x15d: {  	s29 =	simm.s32 $0x3C00  }
0x15e: {  	[hbm4b:s7+s2] =	stream.indirect_vreg.scatter [tilespmem:s29], [sflag:$0x4], $0x80, v3, vm0, $0xb8;
	[tilespmem:$0x18400] =	vst v63  }
0x15f: {  	v3 =	vld [tilespmem:$0x310];
	_ =	sdelay $0x4  }
0x160: {  	v61 =	vshll.u32 v3, $0x3  }
0x161: {  	v3 =	vand.u32 $0x7, v3;
	v4 =	vand.u32 $0xFFFFFFC0, v61  }
0x162: {  	v3 =	vor.u32 v3, v4  }
0x163: {  	v4 =	vperm.xlane v3, v0;
	_ =	sdelay $0x1  }
0x164: {  	v4 =	vadd.s32 v1, v4;
	_ =	sdelay $0x3  }
0x165: {  	s29 =	simm.s32 $0x4400  }
0x166: {  	[hbm4b:s4+s2] =	stream.indirect_vreg.scatter [tilespmem:s29], [sflag:$0x4], $0x80, v4, vm0, $0xb8;
	[tilespmem:$0x18400] =	vst v63  }
0x167: {  	v3 =	vperm.xlane v3, v2;
	s29 =	simm.s32 $0x4C00  }
0x168: {  	[hbm4b:s5+s2] =	stream.indirect_vreg.scatter [tilespmem:s29], [sflag:$0x4], $0x80, v4, vm0, $0xb8;
	[tilespmem:$0x18400] =	vst v63  }
0x169: {  	v3 =	vadd.s32 v1, v3;
	s29 =	simm.s32 $0x5400  }
0x16a: {  	[hbm4b:s6+s2] =	stream.indirect_vreg.scatter [tilespmem:s29], [sflag:$0x4], $0x80, v4, vm0, $0xb8;
	[tilespmem:$0x18400] =	vst v63  }
0x16b: {  	s29 =	simm.s32 $0x5C00  }
0x16c: {  	[hbm4b:s7+s2] =	stream.indirect_vreg.scatter [tilespmem:s29], [sflag:$0x4], $0x80, v4, vm0, $0xb8;
	[tilespmem:$0x18400] =	vst v63  }
0x16d: {  	s29 =	simm.s32 $0x6400  }
0x16e: {  	[hbm4b:s4+s2] =	stream.indirect_vreg.scatter [tilespmem:s29], [sflag:$0x4], $0x80, v3, vm0, $0xb8;
	[tilespmem:$0x18400] =	vst v63  }
0x16f: {  	s29 =	simm.s32 $0x6C00  }
0x170: {  	[hbm4b:s5+s2] =	stream.indirect_vreg.scatter [tilespmem:s29], [sflag:$0x4], $0x80, v3, vm0, $0xb8;
	[tilespmem:$0x18400] =	vst v63  }
0x171: {  	s29 =	simm.s32 $0x7400  }
0x172: {  	[hbm4b:s6+s2] =	stream.indirect_vreg.scatter [tilespmem:s29], [sflag:$0x4], $0x80, v3, vm0, $0xb8;
	[tilespmem:$0x18400] =	vst v63  }
0x173: {  	s29 =	simm.s32 $0x7C00  }
0x174: {  	[hbm4b:s7+s2] =	stream.indirect_vreg.scatter [tilespmem:s29], [sflag:$0x4], $0x80, v3, vm0, $0xb8;
	[tilespmem:$0x18400] =	vst v63  }
0x175: {  	_ =	swait.ge [sflag:s31], $0x8000  }
0x176: {  	[sflag:s31] =	ssyncset.done $0x0  }
0x177: {  	[sflag:s31] =	ssyncadd.s32 $0xFFFF8000  }
0x178: {  	v3 =	vld [tilespmem:$0x380];
	_ =	sdelay $0x4  }
0x179: {  	v62 =	vshll.u32 v3, $0x3  }
0x17a: {  	v3 =	vand.u32 $0x7, v3;
	v4 =	vand.u32 $0xFFFFFFC0, v62  }
0x17b: {  	v3 =	vor.u32 v3, v4  }
0x17c: {  	v4 =	vperm.xlane v3, v0;
	_ =	sdelay $0x1  }
0x17d: {  	v4 =	vadd.s32 v1, v4;
	_ =	sdelay $0x4  }
0x17e: {  	[hbm4b:s4+s2] =	stream.indirect_vreg.scatter [tilespmem:s0], [sflag:$0x5], $0x80, v4, vm0, $0xb8;
	[tilespmem:$0x18400] =	vst v63  }
0x17f: {  	s29 =	simm.s32 $0x8C00;
	v3 =	vperm.xlane v3, v2  }
0x180: {  	[hbm4b:s5+s2] =	stream.indirect_vreg.scatter [tilespmem:s29], [sflag:$0x5], $0x80, v4, vm0, $0xb8;
	[tilespmem:$0x18400] =	vst v63  }
0x181: {  	s1 =	simm.s32 $0x9400;
	v3 =	vadd.s32 v1, v3  }
0x182: {  	[hbm4b:s6+s2] =	stream.indirect_vreg.scatter [tilespmem:s1], [sflag:$0x5], $0x80, v4, vm0, $0xb8;
	[tilespmem:$0x18400] =	vst v63  }
0x183: {  	s29 =	simm.s32 $0x9C00  }
0x184: {  	[hbm4b:s7+s2] =	stream.indirect_vreg.scatter [tilespmem:s29], [sflag:$0x5], $0x80, v4, vm0, $0xb8;
	[tilespmem:$0x18400] =	vst v63  }
0x185: {  	s1 =	simm.s32 $0xA400  }
0x186: {  	[hbm4b:s4+s2] =	stream.indirect_vreg.scatter [tilespmem:s1], [sflag:$0x5], $0x80, v3, vm0, $0xb8;
	[tilespmem:$0x18400] =	vst v63  }
0x187: {  	s29 =	simm.s32 $0xAC00  }
0x188: {  	[hbm4b:s5+s2] =	stream.indirect_vreg.scatter [tilespmem:s29], [sflag:$0x5], $0x80, v3, vm0, $0xb8;
	[tilespmem:$0x18400] =	vst v63  }
0x189: {  	s1 =	simm.s32 $0xB400  }
0x18a: {  	[hbm4b:s6+s2] =	stream.indirect_vreg.scatter [tilespmem:s1], [sflag:$0x5], $0x80, v3, vm0, $0xb8;
	[tilespmem:$0x18400] =	vst v63  }
0x18b: {  	s29 =	simm.s32 $0xBC00  }
0x18c: {  	[hbm4b:s7+s2] =	stream.indirect_vreg.scatter [tilespmem:s29], [sflag:$0x5], $0x80, v3, vm0, $0xb8;
	[tilespmem:$0x18400] =	vst v63  }
0x18d: {  	v3 =	vld [tilespmem:$0x390];
	_ =	sdelay $0x4  }
0x18e: {  	v63 =	vshll.u32 v3, $0x3  }
0x18f: {  	v3 =	vand.u32 $0x7, v3;
	v4 =	vand.u32 $0xFFFFFFC0, v63  }
0x190: {  	v3 =	vor.u32 v3, v4  }
0x191: {  	v4 =	vperm.xlane v3, v0;
	_ =	sdelay $0x1  }
0x192: {  	v4 =	vadd.s32 v1, v4;
	_ =	sdelay $0x3  }
0x193: {  	s1 =	simm.s32 $0xC400  }
0x194: {  	[hbm4b:s4+s2] =	stream.indirect_vreg.scatter [tilespmem:s1], [sflag:$0x5], $0x80, v4, vm0, $0xb8;
	[tilespmem:$0x18400] =	vst v63  }
0x195: {  	s29 =	simm.s32 $0xCC00;
	v3 =	vperm.xlane v3, v2  }
0x196: {  	[hbm4b:s5+s2] =	stream.indirect_vreg.scatter [tilespmem:s29], [sflag:$0x5], $0x80, v4, vm0, $0xb8;
	[tilespmem:$0x18400] =	vst v63  }
0x197: {  	v3 =	vadd.s32 v1, v3;
	s1 =	simm.s32 $0xD400  }
0x198: {  	[hbm4b:s6+s2] =	stream.indirect_vreg.scatter [tilespmem:s1], [sflag:$0x5], $0x80, v4, vm0, $0xb8;
	[tilespmem:$0x18400] =	vst v63  }
0x199: {  	s29 =	simm.s32 $0xDC00  }
0x19a: {  	[hbm4b:s7+s2] =	stream.indirect_vreg.scatter [tilespmem:s29], [sflag:$0x5], $0x80, v4, vm0, $0xb8;
	[tilespmem:$0x18400] =	vst v63  }
0x19b: {  	s1 =	simm.s32 $0xE400  }
0x19c: {  	[hbm4b:s4+s2] =	stream.indirect_vreg.scatter [tilespmem:s1], [sflag:$0x5], $0x80, v3, vm0, $0xb8;
	[tilespmem:$0x18400] =	vst v63  }
0x19d: {  	s29 =	simm.s32 $0xEC00  }
0x19e: {  	[hbm4b:s5+s2] =	stream.indirect_vreg.scatter [tilespmem:s29], [sflag:$0x5], $0x80, v3, vm0, $0xb8;
	[tilespmem:$0x18400] =	vst v63  }
0x19f: {  	s1 =	simm.s32 $0xF400  }
0x1a0: {  	[hbm4b:s6+s2] =	stream.indirect_vreg.scatter [tilespmem:s1], [sflag:$0x5], $0x80, v3, vm0, $0xb8;
	[tilespmem:$0x18400] =	vst v63  }
0x1a1: {  	s29 =	simm.s32 $0xFC00  }
0x1a2: {  	[hbm4b:s7+s2] =	stream.indirect_vreg.scatter [tilespmem:s29], [sflag:$0x5], $0x80, v3, vm0, $0xb8;
	[tilespmem:$0x18400] =	vst v63  }
0x1a3: {  	_ =	swait.ge [sflag:s13], $0x8000  }
0x1a4: {  	[sflag:s13] =	ssyncset.done $0x0  }
0x1a5: {  	[sflag:s13] =	ssyncadd.s32 $0xFFFF8000  }
0x1a6: {  	p0 =	sne.s32 s8, $0x1;
	_ =	swait.ge [sflag:s30], $0x8000  }
.Ltmp0:
0x1a7: {  	[sflag:s30] =	ssyncset.done $0x0;
	(pc) =	sbr.rel @p0 .LBB2_1-.Ltmp0, $4  }
0x1a8: {  	[sflag:s30] =	ssyncadd.s32 $0xFFFF8000  }
0x1a9: {  	_ =	swait.ge [sflag:s25], $0x8000  }
0x1aa: {  	[sflag:s25] =	ssyncset.done $0x0  }
0x1ab: {  	s8 =	sadd.s32 $0xFFFFFFFF, s8;
	[sflag:s25] =	ssyncadd.s32 $0xFFFF8000  }
0x1ac: {  	_ =	sfence.sel $0x180000  }
0x1ad: {  	[bflag:$0x0] =	sbarrier.arrive $0xFFFF  }
0x1ae: {  	_ =	strace $0x90000047  }
0x1af: {  	s0 =	stileid.u32;
	[bflag:$0x2] =	sbarrier.arrive $0xFFFF  }
0x1b0: {  	p0 =	sne.s32 s0, $0x0;
	s0 =	rddreg [dreg:$0x3]  }
0x1b1: {  	s0 =	sadd.s32 @!p0 $0x100000, s0  }
0x1b2: {  	[sflag:s0] =	ssyncadd.tile.s32 @!p0 $0x1;
	_ =	shalt  }
.Lfunc_end2:
_tile_overlayer_lowered:
.L_overlay_start_2:
0x1b3: {  	(tag) =	ssettag $0x2  }
0x1b4: {  	s0 =	rddreg [dreg:$0x0];
	s2 =	stileid.u32  }
0x1b5: {  	s1 =	rddreg [dreg:$0x1];
	p0 =	sne.s32 s2, $0x0  }
0x1b6: {  	s3 =	rddreg [dreg:$0x2];
	[bflag:$0x3] =	sbarrier.arrive $0xFFFF;
	s2 =	simm.s32 @!p0 $0x1C07  }
0x1b7: {  	[timem:s3], [sflag:s2] =	dma.local @!p0 [hbm:s0], s1  }
0x1b8: {  	s0 =	simm.s32 @!p0 $0x7  }
0x1b9: {  	_ =	swait.ge @!p0 [sflag:s0], s1  }
0x1ba: {  	s1 =	ssub.s32 @!p0 $0x0, s1;
	[sflag:s0] =	ssyncset.done @!p0 $0x0  }
0x1bb: {  	[sflag:s0] =	ssyncadd.s32 @!p0 s1  }
0x1bc: {  	[bflag:$0x3] =	sbarrier.arrive $0xFFFF  }
0x1bd: {  	_ =	shalt  }

// kernel: kernel.8.cloned.1.call-start
scs
__scs_entry_jumppad:
0x0: {  	(pc) =	sbr.rel $0x88, $3  }
0x1: {  	(tag) =	ssettag $0x0;
	lr =	simm.s32 $0x1  }
0x2: {  	[smem:$0x3F9D] =	sst lr;
	_ =	strace $0xD0000000  }
0x3: {  	_ = 	snop  }
0x4: {  	_ = 	snop  }
0x5: {  	_ = 	snop  }
0x6: {  	_ = 	snop  }
0x7: {  	_ = 	snop  }
__scs_overlays_trampoline_lowered:
0x8: {  	[smem:$0x3FAC] =	sst s0  }
0x9: {  	[smem:$0x3FAD] =	sst s1  }
0xa: {  	[smem:$0x3FAE] =	sst s2  }
0xb: {  	[smem:$0x3FAF] =	sst s3  }
0xc: {  	[smem:$0x3FB0] =	sst s4  }
0xd: {  	[smem:$0x3FB1] =	sst s5  }
0xe: {  	[smem:$0x3FB2] =	sst s6  }
0xf: {  	[smem:$0x3FB3] =	sst s7  }
0x10: {  	[smem:$0x3FB4] =	sst s8  }
0x11: {  	[smem:$0x3FB5] =	sst s9;
	s0 =	simm.s32 @!p0 $0x0  }
0x12: {  	s1 =	sld [smem:$0x3F9B];
	s0 =	simm.s32 @p0 $0x1  }
0x13: {  	[smem:$0x3FB6] =	sst s0;
	s0 =	simm.s32 @!p1 $0x0  }
0x14: {  	s2 =	sld [smem:$0x3F9A];
	s0 =	simm.s32 @p1 $0x1  }
0x15: {  	[smem:$0x3FB7] =	sst s0;
	s0 =	simm.s32 @!p2 $0x0  }
0x16: {  	s3 =	sld [smem:$0x3FDB];
	s0 =	simm.s32 @p2 $0x1  }
0x17: {  	s4 =	simm.s32 $0x1BF5;
	[smem:$0x3FB9] =	sst s0  }
0x18: {  	s0 =	sld [smem:$0x3F9C];
	_ =	swait.ge [sflag:s4], $0x0  }
0x19: {  	s7 =	sld [smem:$0x3F9D]  }
0x1a: {  	s8 =	sadd.s32 $0xFFFFE003, lr  }
0x1b: {  	s9 =	sadd.s32 $0xFFFFFEF7, lr;
	s5 =	simm.s32 $0xFFFFFFFF;
	p2 =	slt.u32 s8, $0xFFFFF086  }
0x1c: {  	p1 =	slt.u32 s9, $0xF7A;
	s5 =	simm.s32 @!p2 $0x0  }
0x1d: {  	s5 =	simm.s32 @p1 $0x1;
	p0 =	seq.s32 s7, s2  }
0x1e: {  	s7 =	smul.u32 @!p0 $0xF7A, s2;
	p2 =	seq.s32 @!p0 s5, $0x0  }
0x1f: {  	s9 =	smul.u32 $0xF7A, s1;
	s8 =	simm.s32 @!p0 $0x1BF5;
	p2 =	por !p2, p0  }
0x20: {  	[sflag:s8] =	ssyncset.s32 @!p0 $0xFFFFF086;
	s6 =	sadd.s32 @!p0 s3, s7;
	s7 =	simm.s32 @!p0 $0x108  }
0x21: {  	s3 =	sadd.s32 s3, s9;
	s6 =	sadd.s32 @!p0 $0x88, s6;
	s7 =	simm.s32 @p2 $0x1082  }
0x22: {  	[simem:s7], [sflag:s8] =	dma.local @!p0 [hbm:s6], $0xF7A  }
0x23: {  	s9 =	sor.u32 $0xD0000000, s2;
	s6 =	simm.s32 $0x108;
	_ =	swait.ge @!p0 [sflag:s8], $0x0  }
0x24: {  	s3 =	sadd.s32 $0x88, s3;
	s6 =	simm.s32 @!p1 $0x1082;
	[sflag:s4] =	ssyncset.s32 $0xFFFFF086  }
0x25: {  	[simem:s6], [sflag:s4] =	dma.local [hbm:s3], $0xF7A  }
0x26: {  	[smem:$0x3F9D] =	sst s1;
	(tag) =	ssettag s2;
	_ =	strace s9  }
0x27: {  	s1 =	sld [smem:$0x3FAD]  }
0x28: {  	s2 =	sld [smem:$0x3FAE]  }
0x29: {  	s4 =	sld [smem:$0x3FB0]  }
0x2a: {  	p0 =	seq.s32 s5, $0x0;
	s5 =	sld [smem:$0x3FB1]  }
0x2b: {  	s6 =	sld [smem:$0x3FB2]  }
0x2c: {  	s7 =	sld [smem:$0x3FB3]  }
0x2d: {  	s3 =	simm.s32 $0x108;
	s8 =	sld [smem:$0x3FB4]  }
0x2e: {  	s3 =	simm.s32 @!p0 $0x1082;
	s9 =	sld [smem:$0x3FB5]  }
0x2f: {  	lr =	sadd.s32 s0, s3;
	s0 =	sld [smem:$0x3FAC]  }
0x30: {  	s3 =	sld [smem:$0x3FAF]  }
0x31: {  	[smem:$0x3FB8] =	sst s10  }
0x32: {  	s10 =	sld [smem:$0x3FB6];
	_ =	sdelay $0x3  }
0x33: {  	p0 =	seq.s32 s10, $0x1;
	s10 =	sld [smem:$0x3FB8];
	_ =	sdelay $0x3  }
0x34: {  	[smem:$0x3FB8] =	sst s10  }
0x35: {  	s10 =	sld [smem:$0x3FB7];
	_ =	sdelay $0x3  }
0x36: {  	p1 =	seq.s32 s10, $0x1;
	s10 =	sld [smem:$0x3FB8];
	_ =	sdelay $0x3  }
0x37: {  	[smem:$0x3FB8] =	sst s10  }
0x38: {  	s10 =	sld [smem:$0x3FB9]  }
0x39: {  	_ = 	snop;
	(pc) =	sbr.ind lr, $3  }
0x3a: {  	_ = 	snop  }
0x3b: {  	_ = 	snop  }
0x3c: {  	p2 =	seq.s32 s10, $0x1;
	s10 =	sld [smem:$0x3FB8]  }
0x3d: {  	_ =	shalt  }
0x3e: {  	_ =	shalt  }
0x3f: {  	_ =	shalt  }
0x40: {  	_ =	shalt  }
0x41: {  	_ =	shalt  }
0x42: {  	_ =	shalt  }
0x43: {  	_ =	shalt  }
0x44: {  	_ =	shalt  }
0x45: {  	_ =	shalt  }
0x46: {  	_ =	shalt  }
0x47: {  	_ =	shalt  }
0x48: {  	_ =	shalt  }
0x49: {  	_ =	shalt  }
0x4a: {  	_ =	shalt  }
0x4b: {  	_ =	shalt  }
0x4c: {  	_ =	shalt  }
0x4d: {  	_ =	shalt  }
0x4e: {  	_ =	shalt  }
0x4f: {  	_ =	shalt  }
0x50: {  	_ =	shalt  }
0x51: {  	_ =	shalt  }
0x52: {  	_ =	shalt  }
0x53: {  	_ =	shalt  }
0x54: {  	_ =	shalt  }
0x55: {  	_ =	shalt  }
0x56: {  	_ =	shalt  }
0x57: {  	_ =	shalt  }
0x58: {  	_ =	shalt  }
0x59: {  	_ =	shalt  }
0x5a: {  	_ =	shalt  }
0x5b: {  	_ =	shalt  }
0x5c: {  	_ =	shalt  }
0x5d: {  	_ =	shalt  }
0x5e: {  	_ =	shalt  }
0x5f: {  	_ =	shalt  }
0x60: {  	_ =	shalt  }
0x61: {  	_ =	shalt  }
0x62: {  	_ =	shalt  }
0x63: {  	_ =	shalt  }
0x64: {  	_ =	shalt  }
0x65: {  	_ =	shalt  }
0x66: {  	_ =	shalt  }
0x67: {  	_ =	shalt  }
0x68: {  	_ =	shalt  }
0x69: {  	_ =	shalt  }
0x6a: {  	_ =	shalt  }
0x6b: {  	_ =	shalt  }
0x6c: {  	_ =	shalt  }
0x6d: {  	_ =	shalt  }
0x6e: {  	_ =	shalt  }
0x6f: {  	_ =	shalt  }
0x70: {  	_ =	shalt  }
0x71: {  	_ =	shalt  }
0x72: {  	_ =	shalt  }
0x73: {  	_ =	shalt  }
0x74: {  	_ =	shalt  }
0x75: {  	_ =	shalt  }
0x76: {  	_ =	shalt  }
0x77: {  	_ =	shalt  }
0x78: {  	_ =	shalt  }
0x79: {  	_ =	shalt  }
0x7a: {  	_ =	shalt  }
0x7b: {  	_ =	shalt  }
0x7c: {  	_ =	shalt  }
0x7d: {  	_ =	shalt  }
0x7e: {  	_ =	shalt  }
0x7f: {  	_ =	shalt  }
0x80: {  	_ =	shalt  }
0x81: {  	_ =	shalt  }
0x82: {  	_ =	shalt  }
0x83: {  	_ =	shalt  }
0x84: {  	_ =	shalt  }
0x85: {  	_ =	shalt  }
0x86: {  	_ =	shalt  }
0x87: {  	_ =	shalt  }
.Lfunc_end0:
.L_simem_size_0:
called_computation.1_lowered:
.L_overlay_start_0:
0x88: {  	s2 =	sld [smem:$0x3FD9]  }
0x89: {  	s3 =	sld [smem:$0x3FFE];
	_ =	sdelay $0x1  }
0x8a: {  	s1 =	srdreg.scid  }
0x8b: {  	s0 =	sand.u32 $0x1, s1  }
0x8c: {  	s17 =	sshll.u32 s0, $0xA;
	s2 =	sadd.s32 s3, s2  }
0x8d: {  	s2 =	sadd.s32 s2, s17  }
0x8e: {  	[smem:$0x3FC4] =	sst s2  }
0x8f: {  	_ = 	snop  }
0x90: {  	s2 =	sld [smem:$0x3FD0];
	(tm) =	ssettm $0x1  }
0x91: {  	s18 =	sld [smem:$0x3FFB];
	_ =	sdelay $0x3  }
0x92: {  	_ =	strace s18  }
0x93: {  	s3 =	sld [smem:$0x3FFC];
	_ =	sdelay $0x3  }
0x94: {  	_ =	strace s3  }
0x95: {  	s3 =	sld [smem:$0x3FFD];
	_ =	sdelay $0x3  }
0x96: {  	_ =	strace s3  }
0x97: {  	_ =	strace $0x8FFFFFFF  }
0x98: {  	s19 =	sld [smem:$0x3FDB];
	_ =	sdelay $0x1  }
0x99: {  	s4 =	simm.s32 $_scs_section_size  }
0x9a: {  	s5 =	simm.s32 $_size__tile_overlayer_lowered;
	s6 =	simm.s32 $_tile_overlayer_lowered  }
0x9b: {  	s22 =	simm.s32 $0x1BFF;
	s21 =	sshll.u32 s6, $0x1;
	s3 =	sadd.s32 s4, s19  }
0x9c: {  	s7 =	simm.s32 $0x0;
	s20 =	sshll.u32 s5, $0x1;
	s5 =	sadd.s32 s21, s3  }
0x9d: {  	[timem:s7], [sflag:s22] =	dma.local [hbm:s5], s20  }
0x9e: {  	_ =	swait.ge [sflag:s22], s20  }
0x9f: {  	s4 =	ssub.s32 $0x0, s20;
	[sflag:s22] =	ssyncset.done $0x0  }
0xa0: {  	[sflag:s22] =	ssyncadd.s32 s4;
	_ =	sdelay $0x1  }
0xa1: {  	s23 =	simm.s32 $0x1B8B  }
0xa2: {  	_ =	swait.ge [sflag:s23], $0x1  }
0xa3: {  	[sflag:s23] =	ssyncset.done $0x0  }
0xa4: {  	s25 =	simm.s32 $0x1B8E;
	s24 =	sld [smem:$0x3FFE];
	[sflag:s23] =	ssyncadd.s32 $0xFFFFFFFF  }
0xa5: {  	s26 =	simm.s32 $execute0_lowered;
	[smem:$0x3FD2] =	sst s25  }
0xa6: {  	s5 =	sshll.u32 s26, $0x1;
	_ =	strace $0x80000049;
	[dreg:$0x1] =	wrdreg $0xFFFFFFFF  }
0xa7: {  	s28 =	simm.s32 $_size_execute0_lowered;
	s3 =	sadd.s32 s3, s5;
	[dreg:$0x0] =	wrdreg $0x0  }
0xa8: {  	s5 =	sshll.u32 s28, $0x1;
	[dreg:$0x2] =	wrdreg s3  }
0xa9: {  	[dreg:$0x3] =	wrdreg s5  }
0xaa: {  	[dreg:$0x4] =	wrdreg $0xC0  }
0xab: {  	_ =	task [dreg:s7], $0x5FFFF  }
0xac: {  	[dreg:$0x1] =	wrdreg $0xFFFFFFFF  }
0xad: {  	[dreg:$0x0] =	wrdreg $0x60  }
0xae: {  	[dreg:$0x2] =	wrdreg s24  }
0xaf: {  	[dreg:$0x3] =	wrdreg s2  }
0xb0: {  	[dreg:$0x4] =	wrdreg $0x9  }
0xb1: {  	_ =	task.clear_ibuf [dreg:s7], $0x5FFFF;
	_ =	strace $0x90000049  }
0xb2: {  	s29 =	simm.s32 $0x9;
	_ =	strace $0x8000004B  }
0xb3: {  	_ =	swait.ge [sflag:s29], $0x1  }
0xb4: {  	[sflag:s29] =	ssyncadd.s32 $0xFFFFFFFF  }
0xb5: {  	_ =	strace $0x9000004B  }
0xb6: {  	_ =	sfence  }
0xb7: {  	s30 =	sld [smem:$0x0];
	_ =	sdelay $0x2  }
0xb8: {  	s31 =	sshll.u32 s1, $0xD;
	s1 =	sshrl.u32 s1, $0x2  }
0xb9: {  	s3 =	sand.u32 $0x4000, s31;
	s1 =	sadd.s32 s1, s30  }
0xba: {  	s0 =	sor.u32 s3, s0;
	s1 =	sshll.u32 s1, $0x11  }
0xbb: {  	s0 =	sor.u32 s1, s0  }
0xbc: {  	s0 =	sadd.s32 $0x8F2B, s0  }
0xbd: {  	[sflag:s0] =	ssyncadd.remote.s32 $0x1  }
0xbe: {  	_ =	sfence.sel $0xFFFF  }
0xbf: {  	[dreg:$0x0] =	wrdreg $0xFFFFFFFF;
	(pc) =	sbr.abs _section_cstart, $3  }
0xc0: {  	[dreg:$0x1] =	wrdreg $0xFFFFFFFF  }
0xc1: {  	_ =	task.clear_ibuf [dreg:s7], $0x2FFFF;
	_ =	strace $0x9FFFFFFF  }
0xc2: {  	(tm) =	ssettm $0x7FFFFFFF  }
0xc3: {  	_ =	shalt  }
tec
execute0_lowered:
.L_overlay_start_1:
0x0: {  	(tag) =	ssettag $0x1  }
0x1: {  	s0 =	srdreg.scid  }
0x2: {  	s1 =	rddreg [dreg:$0x0];
	s2 =	stileid.u32  }
0x3: {  	s3 =	rddreg [dreg:$0x1];
	s19 =	simm.s32 $0x1;
	s31 =	simm.s32 $0x3  }
0x4: {  	s9 =	simm.s32 $0x11900;
	s10 =	simm.s32 $0x12100;
	s11 =	simm.s32 $0x12900  }
0x5: {  	s12 =	simm.s32 $0x13100;
	s13 =	simm.s32 $0x13900;
	s14 =	simm.s32 $0x14100  }
0x6: {  	s15 =	simm.s32 $0x14900;
	s16 =	simm.s32 $0x15100;
	s17 =	simm.s32 $0x15900  }
0x7: {  	s18 =	simm.s32 $0x16100;
	s28 =	simm.s32 $0x16900;
	s0 =	sand.u32 $0x1, s0  }
0x8: {  	s29 =	simm.s32 $0x17100;
	s4 =	sshll.u32 s2, $0x9;
	s5 =	sshll.u32 s0, $0x8  }
0x9: {  	s30 =	simm.s32 $0x17900;
	s2 =	simm.s32 $0x0;
	s4 =	sor.u32 s5, s4  }
0xa: {  	s6 =	sadd.s32 $0x140600, s1;
	s7 =	sadd.s32 $0x140700, s1;
	s5 =	sshrl.u32 s4, $0x3  }
0xb: {  	[smem:$0x7FF] =	sst s2;
	s4 =	sshll.u32 s4, $0x7;
	s5 =	sadd.s32 s1, s5  }
0xc: {  	_ =	strace $0x8000004A;
	s8 =	sadd.s32 s3, s4;
	[dreg:$0x3] =	wrdreg s5  }
0xd: {  	s0 =	ssub.s32 $0x2, s0;
	s3 =	sadd.s32 $0x1000, s8;
	[dreg:$0xb] =	wrdreg s8  }
0xe: {  	s21 =	sshrl.u32 s0, $0x1;
	s20 =	sadd.s32 $0x2000, s8;
	[dreg:$0x4] =	wrdreg s3  }
0xf: {  	s0 =	ssub.s32 s0, s21;
	s22 =	sadd.s32 $0x3000, s8;
	[dreg:$0x5] =	wrdreg s20  }
0x10: {  	s21 =	simm.s32 $0x2;
	s23 =	sadd.s32 $0x4000, s8;
	[dreg:$0x6] =	wrdreg s22  }
0x11: {  	s4 =	sadd.s32 $0x140400, s1;
	s24 =	sadd.s32 $0x5000, s8;
	[dreg:$0x7] =	wrdreg s23  }
0x12: {  	s5 =	sadd.s32 $0x140500, s1;
	s25 =	sadd.s32 $0x6000, s8;
	[dreg:$0x8] =	wrdreg s24  }
0x13: {  	v2 =	vlaneseq.u32;
	s26 =	sadd.s32 $0x7000, s8;
	s8 =	smax.u32 s0, $0x1;
	[dreg:$0x9] =	wrdreg s25  }
0x14: {  	vm0 =	vmmov $0xffff;
	v1 =	vshrl.u32 v2, $0x3;
	[dreg:$0xa] =	wrdreg s26;
	s20 =	simm.s32 $0x4;
	s22 =	simm.s32 $0x5  }
0x15: {  	v0 =	vand.u32 $0x7, v2;
	v2 =	vor.u32 $0x8, v2;
	v1 =	vmul.u32 $0x8, v1;
	s24 =	simm.s32 $0x6;
	s26 =	simm.s32 $0x100;
	s23 =	simm.s32 $0x10900  }
.LBB2_1:
0x16: {  	s25 =	rddreg [dreg:$0x3];
	s3 =	simm.s32 $0x7  }
0x17: {  	[tilespmem:s2], [sflag:$0x7] =	stream.linear.gather [hbm4b:s25+s2], $0x100, $0x38;
	[tilespmem:$0x18100] =	vst v63  }
0x18: {  	_ =	swait.ge [sflag:s3], $0x100  }
0x19: {  	[sflag:s3] =	ssyncset.done $0x0  }
0x1a: {  	[sflag:s3] =	ssyncadd.s32 $0xFFFFFF00  }
0x1b: {  	v3 =	vld [tilespmem:$0x0];
	_ =	sdelay $0x4  }
0x1c: {  	v4 =	vshll.u32 v3, $0x3  }
0x1d: {  	v3 =	vand.u32 $0x7, v3;
	v4 =	vand.u32 $0xFFFFFFC0, v4  }
0x1e: {  	v3 =	vor.u32 v3, v4  }
0x1f: {  	v4 =	vperm.xlane v3, v0;
	_ =	sdelay $0x1  }
0x20: {  	v4 =	vadd.s32 v1, v4;
	_ =	sdelay $0x4  }
0x21: {  	[tilespmem:s26], [sflag:$0x1] =	stream.indirect_vreg.gather [hbm4b:s4+s2], $0x80, v4, vm0, $0xb8;
	[tilespmem:$0x18100] =	vst v63  }
0x22: {  	s0 =	simm.s32 $0x900;
	v3 =	vperm.xlane v3, v2  }
0x23: {  	[tilespmem:s0], [sflag:$0x1] =	stream.indirect_vreg.gather [hbm4b:s5+s2], $0x80, v4, vm0, $0xb8;
	[tilespmem:$0x18100] =	vst v63  }
0x24: {  	s25 =	simm.s32 $0x1100;
	v3 =	vadd.s32 v1, v3  }
0x25: {  	[tilespmem:s25], [sflag:$0x1] =	stream.indirect_vreg.gather [hbm4b:s6+s2], $0x80, v4, vm0, $0xb8;
	[tilespmem:$0x18100] =	vst v63  }
0x26: {  	s1 =	simm.s32 $0x1900  }
0x27: {  	[tilespmem:s1], [sflag:$0x1] =	stream.indirect_vreg.gather [hbm4b:s7+s2], $0x80, v4, vm0, $0xb8;
	[tilespmem:$0x18100] =	vst v63  }
0x28: {  	s3 =	simm.s32 $0x2100  }
0x29: {  	[tilespmem:s3], [sflag:$0x1] =	stream.indirect_vreg.gather [hbm4b:s4+s2], $0x80, v3, vm0, $0xb8;
	[tilespmem:$0x18100] =	vst v63  }
0x2a: {  	s25 =	simm.s32 $0x2900  }
0x2b: {  	[tilespmem:s25], [sflag:$0x1] =	stream.indirect_vreg.gather [hbm4b:s5+s2], $0x80, v3, vm0, $0xb8;
	[tilespmem:$0x18100] =	vst v63  }
0x2c: {  	s1 =	simm.s32 $0x3100  }
0x2d: {  	[tilespmem:s1], [sflag:$0x1] =	stream.indirect_vreg.gather [hbm4b:s6+s2], $0x80, v3, vm0, $0xb8;
	[tilespmem:$0x18100] =	vst v63  }
0x2e: {  	s3 =	simm.s32 $0x3900  }
0x2f: {  	[tilespmem:s3], [sflag:$0x1] =	stream.indirect_vreg.gather [hbm4b:s7+s2], $0x80, v3, vm0, $0xb8;
	[tilespmem:$0x18100] =	vst v63  }
0x30: {  	v3 =	vld [tilespmem:$0x10];
	_ =	sdelay $0x4  }
0x31: {  	v49 =	vshll.u32 v3, $0x3  }
0x32: {  	v3 =	vand.u32 $0x7, v3;
	v4 =	vand.u32 $0xFFFFFFC0, v49  }
0x33: {  	v3 =	vor.u32 v3, v4  }
0x34: {  	v4 =	vperm.xlane v3, v0;
	_ =	sdelay $0x1  }
0x35: {  	v4 =	vadd.s32 v1, v4;
	_ =	sdelay $0x3  }
0x36: {  	s25 =	simm.s32 $0x4100  }
0x37: {  	[tilespmem:s25], [sflag:$0x1] =	stream.indirect_vreg.gather [hbm4b:s4+s2], $0x80, v4, vm0, $0xb8;
	[tilespmem:$0x18100] =	vst v63  }
0x38: {  	s1 =	simm.s32 $0x4900;
	v3 =	vperm.xlane v3, v2  }
0x39: {  	[tilespmem:s1], [sflag:$0x1] =	stream.indirect_vreg.gather [hbm4b:s5+s2], $0x80, v4, vm0, $0xb8;
	[tilespmem:$0x18100] =	vst v63  }
0x3a: {  	s3 =	simm.s32 $0x5100;
	v3 =	vadd.s32 v1, v3  }
0x3b: {  	[tilespmem:s3], [sflag:$0x1] =	stream.indirect_vreg.gather [hbm4b:s6+s2], $0x80, v4, vm0, $0xb8;
	[tilespmem:$0x18100] =	vst v63  }
0x3c: {  	s25 =	simm.s32 $0x5900  }
0x3d: {  	[tilespmem:s25], [sflag:$0x1] =	stream.indirect_vreg.gather [hbm4b:s7+s2], $0x80, v4, vm0, $0xb8;
	[tilespmem:$0x18100] =	vst v63  }
0x3e: {  	s1 =	simm.s32 $0x6100  }
0x3f: {  	[tilespmem:s1], [sflag:$0x1] =	stream.indirect_vreg.gather [hbm4b:s4+s2], $0x80, v3, vm0, $0xb8;
	[tilespmem:$0x18100] =	vst v63  }
0x40: {  	s3 =	simm.s32 $0x6900  }
0x41: {  	[tilespmem:s3], [sflag:$0x1] =	stream.indirect_vreg.gather [hbm4b:s5+s2], $0x80, v3, vm0, $0xb8;
	[tilespmem:$0x18100] =	vst v63  }
0x42: {  	s25 =	simm.s32 $0x7100  }
0x43: {  	[tilespmem:s25], [sflag:$0x1] =	stream.indirect_vreg.gather [hbm4b:s6+s2], $0x80, v3, vm0, $0xb8;
	[tilespmem:$0x18100] =	vst v63  }
0x44: {  	s1 =	simm.s32 $0x7900  }
0x45: {  	[tilespmem:s1], [sflag:$0x1] =	stream.indirect_vreg.gather [hbm4b:s7+s2], $0x80, v3, vm0, $0xb8;
	[tilespmem:$0x18100] =	vst v63  }
0x46: {  	v3 =	vld [tilespmem:$0x20];
	_ =	sdelay $0x4  }
0x47: {  	v50 =	vshll.u32 v3, $0x3  }
0x48: {  	v3 =	vand.u32 $0x7, v3;
	v4 =	vand.u32 $0xFFFFFFC0, v50  }
0x49: {  	v3 =	vor.u32 v3, v4  }
0x4a: {  	v4 =	vperm.xlane v3, v0;
	_ =	sdelay $0x1  }
0x4b: {  	v4 =	vadd.s32 v1, v4;
	_ =	sdelay $0x3  }
0x4c: {  	s0 =	simm.s32 $0x8100  }
0x4d: {  	[tilespmem:s0], [sflag:$0x2] =	stream.indirect_vreg.gather [hbm4b:s4+s2], $0x80, v4, vm0, $0xb8;
	[tilespmem:$0x18100] =	vst v63  }
0x4e: {  	s1 =	simm.s32 $0x8900;
	v3 =	vperm.xlane v3, v2  }
0x4f: {  	[tilespmem:s1], [sflag:$0x2] =	stream.indirect_vreg.gather [hbm4b:s5+s2], $0x80, v4, vm0, $0xb8;
	[tilespmem:$0x18100] =	vst v63  }
0x50: {  	s3 =	simm.s32 $0x9100;
	v3 =	vadd.s32 v1, v3  }
0x51: {  	[tilespmem:s3], [sflag:$0x2] =	stream.indirect_vreg.gather [hbm4b:s6+s2], $0x80, v4, vm0, $0xb8;
	[tilespmem:$0x18100] =	vst v63  }
0x52: {  	s25 =	simm.s32 $0x9900  }
0x53: {  	[tilespmem:s25], [sflag:$0x2] =	stream.indirect_vreg.gather [hbm4b:s7+s2], $0x80, v4, vm0, $0xb8;
	[tilespmem:$0x18100] =	vst v63  }
0x54: {  	s3 =	simm.s32 $0xA100  }
0x55: {  	[tilespmem:s3], [sflag:$0x2] =	stream.indirect_vreg.gather [hbm4b:s4+s2], $0x80, v3, vm0, $0xb8;
	[tilespmem:$0x18100] =	vst v63  }
0x56: {  	s25 =	simm.s32 $0xA900  }
0x57: {  	[tilespmem:s25], [sflag:$0x2] =	stream.indirect_vreg.gather [hbm4b:s5+s2], $0x80, v3, vm0, $0xb8;
	[tilespmem:$0x18100] =	vst v63  }
0x58: {  	s3 =	simm.s32 $0xB100  }
0x59: {  	[tilespmem:s3], [sflag:$0x2] =	stream.indirect_vreg.gather [hbm4b:s6+s2], $0x80, v3, vm0, $0xb8;
	[tilespmem:$0x18100] =	vst v63  }
0x5a: {  	s25 =	simm.s32 $0xB900  }
0x5b: {  	[tilespmem:s25], [sflag:$0x2] =	stream.indirect_vreg.gather [hbm4b:s7+s2], $0x80, v3, vm0, $0xb8;
	[tilespmem:$0x18100] =	vst v63  }
0x5c: {  	v3 =	vld [tilespmem:$0x30];
	_ =	sdelay $0x4  }
0x5d: {  	v51 =	vshll.u32 v3, $0x3  }
0x5e: {  	v3 =	vand.u32 $0x7, v3;
	v4 =	vand.u32 $0xFFFFFFC0, v51  }
0x5f: {  	v3 =	vor.u32 v3, v4  }
0x60: {  	v4 =	vperm.xlane v3, v0;
	_ =	sdelay $0x1  }
0x61: {  	v4 =	vadd.s32 v1, v4;
	_ =	sdelay $0x3  }
0x62: {  	s3 =	simm.s32 $0xC100  }
0x63: {  	[tilespmem:s3], [sflag:$0x2] =	stream.indirect_vreg.gather [hbm4b:s4+s2], $0x80, v4, vm0, $0xb8;
	[tilespmem:$0x18100] =	vst v63  }
0x64: {  	s25 =	simm.s32 $0xC900;
	v3 =	vperm.xlane v3, v2  }
0x65: {  	[tilespmem:s25], [sflag:$0x2] =	stream.indirect_vreg.gather [hbm4b:s5+s2], $0x80, v4, vm0, $0xb8;
	[tilespmem:$0x18100] =	vst v63  }
0x66: {  	v3 =	vadd.s32 v1, v3;
	s3 =	simm.s32 $0xD100  }
0x67: {  	[tilespmem:s3], [sflag:$0x2] =	stream.indirect_vreg.gather [hbm4b:s6+s2], $0x80, v4, vm0, $0xb8;
	[tilespmem:$0x18100] =	vst v63  }
0x68: {  	s25 =	simm.s32 $0xD900  }
0x69: {  	[tilespmem:s25], [sflag:$0x2] =	stream.indirect_vreg.gather [hbm4b:s7+s2], $0x80, v4, vm0, $0xb8;
	[tilespmem:$0x18100] =	vst v63  }
0x6a: {  	s3 =	simm.s32 $0xE100  }
0x6b: {  	[tilespmem:s3], [sflag:$0x2] =	stream.indirect_vreg.gather [hbm4b:s4+s2], $0x80, v3, vm0, $0xb8;
	[tilespmem:$0x18100] =	vst v63  }
0x6c: {  	s25 =	simm.s32 $0xE900  }
0x6d: {  	[tilespmem:s25], [sflag:$0x2] =	stream.indirect_vreg.gather [hbm4b:s5+s2], $0x80, v3, vm0, $0xb8;
	[tilespmem:$0x18100] =	vst v63  }
0x6e: {  	s3 =	simm.s32 $0xF100  }
0x6f: {  	[tilespmem:s3], [sflag:$0x2] =	stream.indirect_vreg.gather [hbm4b:s6+s2], $0x80, v3, vm0, $0xb8;
	[tilespmem:$0x18100] =	vst v63  }
0x70: {  	s25 =	simm.s32 $0xF900  }
0x71: {  	[tilespmem:s25], [sflag:$0x2] =	stream.indirect_vreg.gather [hbm4b:s7+s2], $0x80, v3, vm0, $0xb8;
	[tilespmem:$0x18100] =	vst v63  }
0x72: {  	v3 =	vld [tilespmem:$0x40];
	_ =	sdelay $0x4  }
0x73: {  	v52 =	vshll.u32 v3, $0x3  }
0x74: {  	v3 =	vand.u32 $0x7, v3;
	v4 =	vand.u32 $0xFFFFFFC0, v52  }
0x75: {  	v3 =	vor.u32 v3, v4  }
0x76: {  	v4 =	vperm.xlane v3, v0;
	_ =	sdelay $0x1  }
0x77: {  	v4 =	vadd.s32 v1, v4;
	_ =	sdelay $0x3  }
0x78: {  	s1 =	simm.s32 $0x10100  }
0x79: {  	[tilespmem:s1], [sflag:$0x3] =	stream.indirect_vreg.gather [hbm4b:s4+s2], $0x80, v4, vm0, $0xb8;
	[tilespmem:$0x18100] =	vst v63  }
0x7a: {  	v3 =	vperm.xlane v3, v2  }
0x7b: {  	[tilespmem:s23], [sflag:$0x3] =	stream.indirect_vreg.gather [hbm4b:s5+s2], $0x80, v4, vm0, $0xb8;
	[tilespmem:$0x18100] =	vst v63  }
0x7c: {  	s3 =	simm.s32 $0x11100;
	v3 =	vadd.s32 v1, v3  }
0x7d: {  	[tilespmem:s3], [sflag:$0x3] =	stream.indirect_vreg.gather [hbm4b:s6+s2], $0x80, v4, vm0, $0xb8;
	[tilespmem:$0x18100] =	vst v63  }
0x7e: {  	_ = 	snop  }
0x7f: {  	[tilespmem:s9], [sflag:$0x3] =	stream.indirect_vreg.gather [hbm4b:s7+s2], $0x80, v4, vm0, $0xb8;
	[tilespmem:$0x18100] =	vst v63  }
0x80: {  	_ = 	snop  }
0x81: {  	[tilespmem:s10], [sflag:$0x3] =	stream.indirect_vreg.gather [hbm4b:s4+s2], $0x80, v3, vm0, $0xb8;
	[tilespmem:$0x18100] =	vst v63  }
0x82: {  	_ = 	snop  }
0x83: {  	[tilespmem:s11], [sflag:$0x3] =	stream.indirect_vreg.gather [hbm4b:s5+s2], $0x80, v3, vm0, $0xb8;
	[tilespmem:$0x18100] =	vst v63  }
0x84: {  	_ = 	snop  }
0x85: {  	[tilespmem:s12], [sflag:$0x3] =	stream.indirect_vreg.gather [hbm4b:s6+s2], $0x80, v3, vm0, $0xb8;
	[tilespmem:$0x18100] =	vst v63  }
0x86: {  	_ = 	snop  }
0x87: {  	[tilespmem:s13], [sflag:$0x3] =	stream.indirect_vreg.gather [hbm4b:s7+s2], $0x80, v3, vm0, $0xb8;
	[tilespmem:$0x18100] =	vst v63  }
0x88: {  	v3 =	vld [tilespmem:$0x50];
	_ =	sdelay $0x4  }
0x89: {  	v53 =	vshll.u32 v3, $0x3  }
0x8a: {  	v3 =	vand.u32 $0x7, v3;
	v4 =	vand.u32 $0xFFFFFFC0, v53  }
0x8b: {  	v3 =	vor.u32 v3, v4  }
0x8c: {  	v4 =	vperm.xlane v3, v0;
	_ =	sdelay $0x1  }
0x8d: {  	v4 =	vadd.s32 v1, v4;
	_ =	sdelay $0x4  }
0x8e: {  	[tilespmem:s14], [sflag:$0x3] =	stream.indirect_vreg.gather [hbm4b:s4+s2], $0x80, v4, vm0, $0xb8;
	[tilespmem:$0x18100] =	vst v63  }
0x8f: {  	v3 =	vperm.xlane v3, v2  }
0x90: {  	[tilespmem:s15], [sflag:$0x3] =	stream.indirect_vreg.gather [hbm4b:s5+s2], $0x80, v4, vm0, $0xb8;
	[tilespmem:$0x18100] =	vst v63  }
0x91: {  	v3 =	vadd.s32 v1, v3  }
0x92: {  	[tilespmem:s16], [sflag:$0x3] =	stream.indirect_vreg.gather [hbm4b:s6+s2], $0x80, v4, vm0, $0xb8;
	[tilespmem:$0x18100] =	vst v63  }
0x93: {  	_ = 	snop  }
0x94: {  	[tilespmem:s17], [sflag:$0x3] =	stream.indirect_vreg.gather [hbm4b:s7+s2], $0x80, v4, vm0, $0xb8;
	[tilespmem:$0x18100] =	vst v63  }
0x95: {  	_ = 	snop  }
0x96: {  	[tilespmem:s18], [sflag:$0x3] =	stream.indirect_vreg.gather [hbm4b:s4+s2], $0x80, v3, vm0, $0xb8;
	[tilespmem:$0x18100] =	vst v63  }
0x97: {  	_ = 	snop  }
0x98: {  	[tilespmem:s28], [sflag:$0x3] =	stream.indirect_vreg.gather [hbm4b:s5+s2], $0x80, v3, vm0, $0xb8;
	[tilespmem:$0x18100] =	vst v63  }
0x99: {  	_ = 	snop  }
0x9a: {  	[tilespmem:s29], [sflag:$0x3] =	stream.indirect_vreg.gather [hbm4b:s6+s2], $0x80, v3, vm0, $0xb8;
	[tilespmem:$0x18100] =	vst v63  }
0x9b: {  	_ = 	snop  }
0x9c: {  	[tilespmem:s30], [sflag:$0x3] =	stream.indirect_vreg.gather [hbm4b:s7+s2], $0x80, v3, vm0, $0xb8;
	[tilespmem:$0x18100] =	vst v63  }
0x9d: {  	_ =	swait.ge [sflag:s19], $0x8000  }
0x9e: {  	[sflag:s19] =	ssyncset.done $0x0  }
0x9f: {  	s25 =	rddreg [dreg:$0xb];
	[sflag:s19] =	ssyncadd.s32 $0xFFFF8000  }
0xa0: {  	[hbm4b:s25+s2] =	stream.linear.scatter [tilespmem:s26], [sflag:$0x4], $0x8000, $0x38;
	[tilespmem:$0x18100] =	vst v63  }
0xa1: {  	_ =	swait.ge [sflag:s20], $0x8000  }
0xa2: {  	[sflag:s20] =	ssyncset.done $0x0  }
0xa3: {  	[sflag:s20] =	ssyncadd.s32 $0xFFFF8000  }
0xa4: {  	v3 =	vld [tilespmem:$0x60];
	_ =	sdelay $0x4  }
0xa5: {  	v54 =	vshll.u32 v3, $0x3  }
0xa6: {  	v3 =	vand.u32 $0x7, v3;
	v4 =	vand.u32 $0xFFFFFFC0, v54  }
0xa7: {  	v3 =	vor.u32 v3, v4  }
0xa8: {  	v4 =	vperm.xlane v3, v0;
	_ =	sdelay $0x1  }
0xa9: {  	v4 =	vadd.s32 v1, v4;
	_ =	sdelay $0x4  }
0xaa: {  	[tilespmem:s26], [sflag:$0x1] =	stream.indirect_vreg.gather [hbm4b:s4+s2], $0x80, v4, vm0, $0xb8;
	[tilespmem:$0x18100] =	vst v63  }
0xab: {  	s25 =	simm.s32 $0x900;
	v3 =	vperm.xlane v3, v2  }
0xac: {  	[tilespmem:s25], [sflag:$0x1] =	stream.indirect_vreg.gather [hbm4b:s5+s2], $0x80, v4, vm0, $0xb8;
	[tilespmem:$0x18100] =	vst v63  }
0xad: {  	v3 =	vadd.s32 v1, v3;
	s25 =	simm.s32 $0x1100  }
0xae: {  	[tilespmem:s25], [sflag:$0x1] =	stream.indirect_vreg.gather [hbm4b:s6+s2], $0x80, v4, vm0, $0xb8;
	[tilespmem:$0x18100] =	vst v63  }
0xaf: {  	s25 =	simm.s32 $0x1900  }
0xb0: {  	[tilespmem:s25], [sflag:$0x1] =	stream.indirect_vreg.gather [hbm4b:s7+s2], $0x80, v4, vm0, $0xb8;
	[tilespmem:$0x18100] =	vst v63  }
0xb1: {  	s25 =	simm.s32 $0x2100  }
0xb2: {  	[tilespmem:s25], [sflag:$0x1] =	stream.indirect_vreg.gather [hbm4b:s4+s2], $0x80, v3, vm0, $0xb8;
	[tilespmem:$0x18100] =	vst v63  }
0xb3: {  	s25 =	simm.s32 $0x2900  }
0xb4: {  	[tilespmem:s25], [sflag:$0x1] =	stream.indirect_vreg.gather [hbm4b:s5+s2], $0x80, v3, vm0, $0xb8;
	[tilespmem:$0x18100] =	vst v63  }
0xb5: {  	s25 =	simm.s32 $0x3100  }
0xb6: {  	[tilespmem:s25], [sflag:$0x1] =	stream.indirect_vreg.gather [hbm4b:s6+s2], $0x80, v3, vm0, $0xb8;
	[tilespmem:$0x18100] =	vst v63  }
0xb7: {  	s25 =	simm.s32 $0x3900  }
0xb8: {  	[tilespmem:s25], [sflag:$0x1] =	stream.indirect_vreg.gather [hbm4b:s7+s2], $0x80, v3, vm0, $0xb8;
	[tilespmem:$0x18100] =	vst v63  }
0xb9: {  	v3 =	vld [tilespmem:$0x70];
	_ =	sdelay $0x4  }
0xba: {  	v55 =	vshll.u32 v3, $0x3  }
0xbb: {  	v3 =	vand.u32 $0x7, v3;
	v4 =	vand.u32 $0xFFFFFFC0, v55  }
0xbc: {  	v3 =	vor.u32 v3, v4  }
0xbd: {  	v4 =	vperm.xlane v3, v0;
	_ =	sdelay $0x1  }
0xbe: {  	v4 =	vadd.s32 v1, v4;
	_ =	sdelay $0x3  }
0xbf: {  	s25 =	simm.s32 $0x4100  }
0xc0: {  	[tilespmem:s25], [sflag:$0x1] =	stream.indirect_vreg.gather [hbm4b:s4+s2], $0x80, v4, vm0, $0xb8;
	[tilespmem:$0x18100] =	vst v63  }
0xc1: {  	v3 =	vperm.xlane v3, v2;
	s25 =	simm.s32 $0x4900  }
0xc2: {  	[tilespmem:s25], [sflag:$0x1] =	stream.indirect_vreg.gather [hbm4b:s5+s2], $0x80, v4, vm0, $0xb8;
	[tilespmem:$0x18100] =	vst v63  }
0xc3: {  	v3 =	vadd.s32 v1, v3;
	s25 =	simm.s32 $0x5100  }
0xc4: {  	[tilespmem:s25], [sflag:$0x1] =	stream.indirect_vreg.gather [hbm4b:s6+s2], $0x80, v4, vm0, $0xb8;
	[tilespmem:$0x18100] =	vst v63  }
0xc5: {  	s25 =	simm.s32 $0x5900  }
0xc6: {  	[tilespmem:s25], [sflag:$0x1] =	stream.indirect_vreg.gather [hbm4b:s7+s2], $0x80, v4, vm0, $0xb8;
	[tilespmem:$0x18100] =	vst v63  }
0xc7: {  	s25 =	simm.s32 $0x6100  }
0xc8: {  	[tilespmem:s25], [sflag:$0x1] =	stream.indirect_vreg.gather [hbm4b:s4+s2], $0x80, v3, vm0, $0xb8;
	[tilespmem:$0x18100] =	vst v63  }
0xc9: {  	s25 =	simm.s32 $0x6900  }
0xca: {  	[tilespmem:s25], [sflag:$0x1] =	stream.indirect_vreg.gather [hbm4b:s5+s2], $0x80, v3, vm0, $0xb8;
	[tilespmem:$0x18100] =	vst v63  }
0xcb: {  	s25 =	simm.s32 $0x7100  }
0xcc: {  	[tilespmem:s25], [sflag:$0x1] =	stream.indirect_vreg.gather [hbm4b:s6+s2], $0x80, v3, vm0, $0xb8;
	[tilespmem:$0x18100] =	vst v63  }
0xcd: {  	s25 =	simm.s32 $0x7900  }
0xce: {  	[tilespmem:s25], [sflag:$0x1] =	stream.indirect_vreg.gather [hbm4b:s7+s2], $0x80, v3, vm0, $0xb8;
	[tilespmem:$0x18100] =	vst v63  }
0xcf: {  	_ =	swait.ge [sflag:s21], $0x8000  }
0xd0: {  	[sflag:s21] =	ssyncset.done $0x0  }
0xd1: {  	s25 =	rddreg [dreg:$0x4];
	[sflag:s21] =	ssyncadd.s32 $0xFFFF8000  }
0xd2: {  	[hbm4b:s25+s2] =	stream.linear.scatter [tilespmem:s0], [sflag:$0x5], $0x8000, $0x38;
	[tilespmem:$0x18100] =	vst v63  }
0xd3: {  	_ =	swait.ge [sflag:s22], $0x8000  }
0xd4: {  	[sflag:s22] =	ssyncset.done $0x0  }
0xd5: {  	[sflag:s22] =	ssyncadd.s32 $0xFFFF8000  }
0xd6: {  	v3 =	vld [tilespmem:$0x80];
	_ =	sdelay $0x4  }
0xd7: {  	v56 =	vshll.u32 v3, $0x3  }
0xd8: {  	v3 =	vand.u32 $0x7, v3;
	v4 =	vand.u32 $0xFFFFFFC0, v56  }
0xd9: {  	v3 =	vor.u32 v3, v4  }
0xda: {  	v4 =	vperm.xlane v3, v0;
	_ =	sdelay $0x1  }
0xdb: {  	v4 =	vadd.s32 v1, v4;
	_ =	sdelay $0x4  }
0xdc: {  	[tilespmem:s0], [sflag:$0x2] =	stream.indirect_vreg.gather [hbm4b:s4+s2], $0x80, v4, vm0, $0xb8;
	[tilespmem:$0x18100] =	vst v63  }
0xdd: {  	s25 =	simm.s32 $0x8900;
	v3 =	vperm.xlane v3, v2  }
0xde: {  	[tilespmem:s25], [sflag:$0x2] =	stream.indirect_vreg.gather [hbm4b:s5+s2], $0x80, v4, vm0, $0xb8;
	[tilespmem:$0x18100] =	vst v63  }
0xdf: {  	v3 =	vadd.s32 v1, v3;
	s25 =	simm.s32 $0x9100  }
0xe0: {  	[tilespmem:s25], [sflag:$0x2] =	stream.indirect_vreg.gather [hbm4b:s6+s2], $0x80, v4, vm0, $0xb8;
	[tilespmem:$0x18100] =	vst v63  }
0xe1: {  	s25 =	simm.s32 $0x9900  }
0xe2: {  	[tilespmem:s25], [sflag:$0x2] =	stream.indirect_vreg.gather [hbm4b:s7+s2], $0x80, v4, vm0, $0xb8;
	[tilespmem:$0x18100] =	vst v63  }
0xe3: {  	s25 =	simm.s32 $0xA100  }
0xe4: {  	[tilespmem:s25], [sflag:$0x2] =	stream.indirect_vreg.gather [hbm4b:s4+s2], $0x80, v3, vm0, $0xb8;
	[tilespmem:$0x18100] =	vst v63  }
0xe5: {  	s25 =	simm.s32 $0xA900  }
0xe6: {  	[tilespmem:s25], [sflag:$0x2] =	stream.indirect_vreg.gather [hbm4b:s5+s2], $0x80, v3, vm0, $0xb8;
	[tilespmem:$0x18100] =	vst v63  }
0xe7: {  	s25 =	simm.s32 $0xB100  }
0xe8: {  	[tilespmem:s25], [sflag:$0x2] =	stream.indirect_vreg.gather [hbm4b:s6+s2], $0x80, v3, vm0, $0xb8;
	[tilespmem:$0x18100] =	vst v63  }
0xe9: {  	s25 =	simm.s32 $0xB900  }
0xea: {  	[tilespmem:s25], [sflag:$0x2] =	stream.indirect_vreg.gather [hbm4b:s7+s2], $0x80, v3, vm0, $0xb8;
	[tilespmem:$0x18100] =	vst v63  }
0xeb: {  	v3 =	vld [tilespmem:$0x90];
	_ =	sdelay $0x4  }
0xec: {  	v57 =	vshll.u32 v3, $0x3  }
0xed: {  	v3 =	vand.u32 $0x7, v3;
	v4 =	vand.u32 $0xFFFFFFC0, v57  }
0xee: {  	v3 =	vor.u32 v3, v4  }
0xef: {  	v4 =	vperm.xlane v3, v0;
	_ =	sdelay $0x1  }
0xf0: {  	v4 =	vadd.s32 v1, v4;
	_ =	sdelay $0x3  }
0xf1: {  	s25 =	simm.s32 $0xC100  }
0xf2: {  	[tilespmem:s25], [sflag:$0x2] =	stream.indirect_vreg.gather [hbm4b:s4+s2], $0x80, v4, vm0, $0xb8;
	[tilespmem:$0x18100] =	vst v63  }
0xf3: {  	v3 =	vperm.xlane v3, v2;
	s25 =	simm.s32 $0xC900  }
0xf4: {  	[tilespmem:s25], [sflag:$0x2] =	stream.indirect_vreg.gather [hbm4b:s5+s2], $0x80, v4, vm0, $0xb8;
	[tilespmem:$0x18100] =	vst v63  }
0xf5: {  	v3 =	vadd.s32 v1, v3;
	s25 =	simm.s32 $0xD100  }
0xf6: {  	[tilespmem:s25], [sflag:$0x2] =	stream.indirect_vreg.gather [hbm4b:s6+s2], $0x80, v4, vm0, $0xb8;
	[tilespmem:$0x18100] =	vst v63  }
0xf7: {  	s25 =	simm.s32 $0xD900  }
0xf8: {  	[tilespmem:s25], [sflag:$0x2] =	stream.indirect_vreg.gather [hbm4b:s7+s2], $0x80, v4, vm0, $0xb8;
	[tilespmem:$0x18100] =	vst v63  }
0xf9: {  	s25 =	simm.s32 $0xE100  }
0xfa: {  	[tilespmem:s25], [sflag:$0x2] =	stream.indirect_vreg.gather [hbm4b:s4+s2], $0x80, v3, vm0, $0xb8;
	[tilespmem:$0x18100] =	vst v63  }
0xfb: {  	s25 =	simm.s32 $0xE900  }
0xfc: {  	[tilespmem:s25], [sflag:$0x2] =	stream.indirect_vreg.gather [hbm4b:s5+s2], $0x80, v3, vm0, $0xb8;
	[tilespmem:$0x18100] =	vst v63  }
0xfd: {  	s25 =	simm.s32 $0xF100  }
0xfe: {  	[tilespmem:s25], [sflag:$0x2] =	stream.indirect_vreg.gather [hbm4b:s6+s2], $0x80, v3, vm0, $0xb8;
	[tilespmem:$0x18100] =	vst v63  }
0xff: {  	s25 =	simm.s32 $0xF900  }
0x100: {  	[tilespmem:s25], [sflag:$0x2] =	stream.indirect_vreg.gather [hbm4b:s7+s2], $0x80, v3, vm0, $0xb8;
	[tilespmem:$0x18100] =	vst v63  }
0x101: {  	_ =	swait.ge [sflag:s31], $0x8000  }
0x102: {  	[sflag:s31] =	ssyncset.done $0x0  }
0x103: {  	s25 =	rddreg [dreg:$0x5];
	[sflag:s31] =	ssyncadd.s32 $0xFFFF8000  }
0x104: {  	[hbm4b:s25+s2] =	stream.linear.scatter [tilespmem:s1], [sflag:$0x6], $0x8000, $0x38;
	[tilespmem:$0x18100] =	vst v63  }
0x105: {  	_ =	swait.ge [sflag:s24], $0x8000  }
0x106: {  	[sflag:s24] =	ssyncset.done $0x0  }
0x107: {  	[sflag:s24] =	ssyncadd.s32 $0xFFFF8000  }
0x108: {  	v3 =	vld [tilespmem:$0xA0];
	_ =	sdelay $0x4  }
0x109: {  	v58 =	vshll.u32 v3, $0x3  }
0x10a: {  	v3 =	vand.u32 $0x7, v3;
	v4 =	vand.u32 $0xFFFFFFC0, v58  }
0x10b: {  	v3 =	vor.u32 v3, v4  }
0x10c: {  	v4 =	vperm.xlane v3, v0;
	_ =	sdelay $0x1  }
0x10d: {  	v4 =	vadd.s32 v1, v4;
	_ =	sdelay $0x4  }
0x10e: {  	[tilespmem:s1], [sflag:$0x3] =	stream.indirect_vreg.gather [hbm4b:s4+s2], $0x80, v4, vm0, $0xb8;
	[tilespmem:$0x18100] =	vst v63  }
0x10f: {  	v3 =	vperm.xlane v3, v2  }
0x110: {  	[tilespmem:s23], [sflag:$0x3] =	stream.indirect_vreg.gather [hbm4b:s5+s2], $0x80, v4, vm0, $0xb8;
	[tilespmem:$0x18100] =	vst v63  }
0x111: {  	v3 =	vadd.s32 v1, v3  }
0x112: {  	[tilespmem:s3], [sflag:$0x3] =	stream.indirect_vreg.gather [hbm4b:s6+s2], $0x80, v4, vm0, $0xb8;
	[tilespmem:$0x18100] =	vst v63  }
0x113: {  	_ = 	snop  }
0x114: {  	[tilespmem:s9], [sflag:$0x3] =	stream.indirect_vreg.gather [hbm4b:s7+s2], $0x80, v4, vm0, $0xb8;
	[tilespmem:$0x18100] =	vst v63  }
0x115: {  	_ = 	snop  }
0x116: {  	[tilespmem:s10], [sflag:$0x3] =	stream.indirect_vreg.gather [hbm4b:s4+s2], $0x80, v3, vm0, $0xb8;
	[tilespmem:$0x18100] =	vst v63  }
0x117: {  	_ = 	snop  }
0x118: {  	[tilespmem:s11], [sflag:$0x3] =	stream.indirect_vreg.gather [hbm4b:s5+s2], $0x80, v3, vm0, $0xb8;
	[tilespmem:$0x18100] =	vst v63  }
0x119: {  	_ = 	snop  }
0x11a: {  	[tilespmem:s12], [sflag:$0x3] =	stream.indirect_vreg.gather [hbm4b:s6+s2], $0x80, v3, vm0, $0xb8;
	[tilespmem:$0x18100] =	vst v63  }
0x11b: {  	_ = 	snop  }
0x11c: {  	[tilespmem:s13], [sflag:$0x3] =	stream.indirect_vreg.gather [hbm4b:s7+s2], $0x80, v3, vm0, $0xb8;
	[tilespmem:$0x18100] =	vst v63  }
0x11d: {  	v3 =	vld [tilespmem:$0xB0];
	_ =	sdelay $0x4  }
0x11e: {  	v59 =	vshll.u32 v3, $0x3  }
0x11f: {  	v3 =	vand.u32 $0x7, v3;
	v4 =	vand.u32 $0xFFFFFFC0, v59  }
0x120: {  	v3 =	vor.u32 v3, v4  }
0x121: {  	v4 =	vperm.xlane v3, v0;
	_ =	sdelay $0x1  }
0x122: {  	v4 =	vadd.s32 v1, v4;
	_ =	sdelay $0x4  }
0x123: {  	[tilespmem:s14], [sflag:$0x3] =	stream.indirect_vreg.gather [hbm4b:s4+s2], $0x80, v4, vm0, $0xb8;
	[tilespmem:$0x18100] =	vst v63  }
0x124: {  	v3 =	vperm.xlane v3, v2  }
0x125: {  	[tilespmem:s15], [sflag:$0x3] =	stream.indirect_vreg.gather [hbm4b:s5+s2], $0x80, v4, vm0, $0xb8;
	[tilespmem:$0x18100] =	vst v63  }
0x126: {  	v3 =	vadd.s32 v1, v3  }
0x127: {  	[tilespmem:s16], [sflag:$0x3] =	stream.indirect_vreg.gather [hbm4b:s6+s2], $0x80, v4, vm0, $0xb8;
	[tilespmem:$0x18100] =	vst v63  }
0x128: {  	_ = 	snop  }
0x129: {  	[tilespmem:s17], [sflag:$0x3] =	stream.indirect_vreg.gather [hbm4b:s7+s2], $0x80, v4, vm0, $0xb8;
	[tilespmem:$0x18100] =	vst v63  }
0x12a: {  	_ = 	snop  }
0x12b: {  	[tilespmem:s18], [sflag:$0x3] =	stream.indirect_vreg.gather [hbm4b:s4+s2], $0x80, v3, vm0, $0xb8;
	[tilespmem:$0x18100] =	vst v63  }
0x12c: {  	_ = 	snop  }
0x12d: {  	[tilespmem:s28], [sflag:$0x3] =	stream.indirect_vreg.gather [hbm4b:s5+s2], $0x80, v3, vm0, $0xb8;
	[tilespmem:$0x18100] =	vst v63  }
0x12e: {  	_ = 	snop  }
0x12f: {  	[tilespmem:s29], [sflag:$0x3] =	stream.indirect_vreg.gather [hbm4b:s6+s2], $0x80, v3, vm0, $0xb8;
	[tilespmem:$0x18100] =	vst v63  }
0x130: {  	_ = 	snop  }
0x131: {  	[tilespmem:s30], [sflag:$0x3] =	stream.indirect_vreg.gather [hbm4b:s7+s2], $0x80, v3, vm0, $0xb8;
	[tilespmem:$0x18100] =	vst v63  }
0x132: {  	_ =	swait.ge [sflag:s19], $0x8000  }
0x133: {  	[sflag:s19] =	ssyncset.done $0x0  }
0x134: {  	s3 =	rddreg [dreg:$0x6];
	[sflag:s19] =	ssyncadd.s32 $0xFFFF8000  }
0x135: {  	[hbm4b:s3+s2] =	stream.linear.scatter [tilespmem:s26], [sflag:$0x4], $0x8000, $0x38;
	[tilespmem:$0x18100] =	vst v63  }
0x136: {  	_ =	swait.ge [sflag:s20], $0x8000  }
0x137: {  	[sflag:s20] =	ssyncset.done $0x0  }
0x138: {  	[sflag:s20] =	ssyncadd.s32 $0xFFFF8000  }
0x139: {  	v3 =	vld [tilespmem:$0xC0];
	_ =	sdelay $0x4  }
0x13a: {  	v60 =	vshll.u32 v3, $0x3  }
0x13b: {  	v3 =	vand.u32 $0x7, v3;
	v4 =	vand.u32 $0xFFFFFFC0, v60  }
0x13c: {  	v3 =	vor.u32 v3, v4  }
0x13d: {  	v4 =	vperm.xlane v3, v0;
	_ =	sdelay $0x1  }
0x13e: {  	v4 =	vadd.s32 v1, v4;
	_ =	sdelay $0x4  }
0x13f: {  	[tilespmem:s26], [sflag:$0x1] =	stream.indirect_vreg.gather [hbm4b:s4+s2], $0x80, v4, vm0, $0xb8;
	[tilespmem:$0x18100] =	vst v63  }
0x140: {  	s25 =	simm.s32 $0x900;
	v3 =	vperm.xlane v3, v2  }
0x141: {  	[tilespmem:s25], [sflag:$0x1] =	stream.indirect_vreg.gather [hbm4b:s5+s2], $0x80, v4, vm0, $0xb8;
	[tilespmem:$0x18100] =	vst v63  }
0x142: {  	v3 =	vadd.s32 v1, v3;
	s25 =	simm.s32 $0x1100  }
0x143: {  	[tilespmem:s25], [sflag:$0x1] =	stream.indirect_vreg.gather [hbm4b:s6+s2], $0x80, v4, vm0, $0xb8;
	[tilespmem:$0x18100] =	vst v63  }
0x144: {  	s25 =	simm.s32 $0x1900  }
0x145: {  	[tilespmem:s25], [sflag:$0x1] =	stream.indirect_vreg.gather [hbm4b:s7+s2], $0x80, v4, vm0, $0xb8;
	[tilespmem:$0x18100] =	vst v63  }
0x146: {  	s25 =	simm.s32 $0x2100  }
0x147: {  	[tilespmem:s25], [sflag:$0x1] =	stream.indirect_vreg.gather [hbm4b:s4+s2], $0x80, v3, vm0, $0xb8;
	[tilespmem:$0x18100] =	vst v63  }
0x148: {  	s25 =	simm.s32 $0x2900  }
0x149: {  	[tilespmem:s25], [sflag:$0x1] =	stream.indirect_vreg.gather [hbm4b:s5+s2], $0x80, v3, vm0, $0xb8;
	[tilespmem:$0x18100] =	vst v63  }
0x14a: {  	s25 =	simm.s32 $0x3100  }
0x14b: {  	[tilespmem:s25], [sflag:$0x1] =	stream.indirect_vreg.gather [hbm4b:s6+s2], $0x80, v3, vm0, $0xb8;
	[tilespmem:$0x18100] =	vst v63  }
0x14c: {  	s25 =	simm.s32 $0x3900  }
0x14d: {  	[tilespmem:s25], [sflag:$0x1] =	stream.indirect_vreg.gather [hbm4b:s7+s2], $0x80, v3, vm0, $0xb8;
	[tilespmem:$0x18100] =	vst v63  }
0x14e: {  	v3 =	vld [tilespmem:$0xD0];
	_ =	sdelay $0x4  }
0x14f: {  	v61 =	vshll.u32 v3, $0x3  }
0x150: {  	v3 =	vand.u32 $0x7, v3;
	v4 =	vand.u32 $0xFFFFFFC0, v61  }
0x151: {  	v3 =	vor.u32 v3, v4  }
0x152: {  	v4 =	vperm.xlane v3, v0;
	_ =	sdelay $0x1  }
0x153: {  	v4 =	vadd.s32 v1, v4;
	_ =	sdelay $0x3  }
0x154: {  	s25 =	simm.s32 $0x4100  }
0x155: {  	[tilespmem:s25], [sflag:$0x1] =	stream.indirect_vreg.gather [hbm4b:s4+s2], $0x80, v4, vm0, $0xb8;
	[tilespmem:$0x18100] =	vst v63  }
0x156: {  	v3 =	vperm.xlane v3, v2;
	s25 =	simm.s32 $0x4900  }
0x157: {  	[tilespmem:s25], [sflag:$0x1] =	stream.indirect_vreg.gather [hbm4b:s5+s2], $0x80, v4, vm0, $0xb8;
	[tilespmem:$0x18100] =	vst v63  }
0x158: {  	v3 =	vadd.s32 v1, v3;
	s25 =	simm.s32 $0x5100  }
0x159: {  	[tilespmem:s25], [sflag:$0x1] =	stream.indirect_vreg.gather [hbm4b:s6+s2], $0x80, v4, vm0, $0xb8;
	[tilespmem:$0x18100] =	vst v63  }
0x15a: {  	s25 =	simm.s32 $0x5900  }
0x15b: {  	[tilespmem:s25], [sflag:$0x1] =	stream.indirect_vreg.gather [hbm4b:s7+s2], $0x80, v4, vm0, $0xb8;
	[tilespmem:$0x18100] =	vst v63  }
0x15c: {  	s25 =	simm.s32 $0x6100  }
0x15d: {  	[tilespmem:s25], [sflag:$0x1] =	stream.indirect_vreg.gather [hbm4b:s4+s2], $0x80, v3, vm0, $0xb8;
	[tilespmem:$0x18100] =	vst v63  }
0x15e: {  	s25 =	simm.s32 $0x6900  }
0x15f: {  	[tilespmem:s25], [sflag:$0x1] =	stream.indirect_vreg.gather [hbm4b:s5+s2], $0x80, v3, vm0, $0xb8;
	[tilespmem:$0x18100] =	vst v63  }
0x160: {  	s25 =	simm.s32 $0x7100  }
0x161: {  	[tilespmem:s25], [sflag:$0x1] =	stream.indirect_vreg.gather [hbm4b:s6+s2], $0x80, v3, vm0, $0xb8;
	[tilespmem:$0x18100] =	vst v63  }
0x162: {  	s25 =	simm.s32 $0x7900  }
0x163: {  	[tilespmem:s25], [sflag:$0x1] =	stream.indirect_vreg.gather [hbm4b:s7+s2], $0x80, v3, vm0, $0xb8;
	[tilespmem:$0x18100] =	vst v63  }
0x164: {  	_ =	swait.ge [sflag:s21], $0x8000  }
0x165: {  	[sflag:s21] =	ssyncset.done $0x0  }
0x166: {  	s3 =	rddreg [dreg:$0x7];
	[sflag:s21] =	ssyncadd.s32 $0xFFFF8000  }
0x167: {  	[hbm4b:s3+s2] =	stream.linear.scatter [tilespmem:s0], [sflag:$0x5], $0x8000, $0x38;
	[tilespmem:$0x18100] =	vst v63  }
0x168: {  	_ =	swait.ge [sflag:s22], $0x8000  }
0x169: {  	[sflag:s22] =	ssyncset.done $0x0  }
0x16a: {  	[sflag:s22] =	ssyncadd.s32 $0xFFFF8000  }
0x16b: {  	v3 =	vld [tilespmem:$0xE0];
	_ =	sdelay $0x4  }
0x16c: {  	v62 =	vshll.u32 v3, $0x3  }
0x16d: {  	v3 =	vand.u32 $0x7, v3;
	v4 =	vand.u32 $0xFFFFFFC0, v62  }
0x16e: {  	v3 =	vor.u32 v3, v4  }
0x16f: {  	v4 =	vperm.xlane v3, v0;
	_ =	sdelay $0x1  }
0x170: {  	v4 =	vadd.s32 v1, v4;
	_ =	sdelay $0x4  }
0x171: {  	[tilespmem:s0], [sflag:$0x2] =	stream.indirect_vreg.gather [hbm4b:s4+s2], $0x80, v4, vm0, $0xb8;
	[tilespmem:$0x18100] =	vst v63  }
0x172: {  	s25 =	simm.s32 $0x8900;
	v3 =	vperm.xlane v3, v2  }
0x173: {  	[tilespmem:s25], [sflag:$0x2] =	stream.indirect_vreg.gather [hbm4b:s5+s2], $0x80, v4, vm0, $0xb8;
	[tilespmem:$0x18100] =	vst v63  }
0x174: {  	v3 =	vadd.s32 v1, v3;
	s25 =	simm.s32 $0x9100  }
0x175: {  	[tilespmem:s25], [sflag:$0x2] =	stream.indirect_vreg.gather [hbm4b:s6+s2], $0x80, v4, vm0, $0xb8;
	[tilespmem:$0x18100] =	vst v63  }
0x176: {  	s25 =	simm.s32 $0x9900  }
0x177: {  	[tilespmem:s25], [sflag:$0x2] =	stream.indirect_vreg.gather [hbm4b:s7+s2], $0x80, v4, vm0, $0xb8;
	[tilespmem:$0x18100] =	vst v63  }
0x178: {  	s25 =	simm.s32 $0xA100  }
0x179: {  	[tilespmem:s25], [sflag:$0x2] =	stream.indirect_vreg.gather [hbm4b:s4+s2], $0x80, v3, vm0, $0xb8;
	[tilespmem:$0x18100] =	vst v63  }
0x17a: {  	s25 =	simm.s32 $0xA900  }
0x17b: {  	[tilespmem:s25], [sflag:$0x2] =	stream.indirect_vreg.gather [hbm4b:s5+s2], $0x80, v3, vm0, $0xb8;
	[tilespmem:$0x18100] =	vst v63  }
0x17c: {  	s25 =	simm.s32 $0xB100  }
0x17d: {  	[tilespmem:s25], [sflag:$0x2] =	stream.indirect_vreg.gather [hbm4b:s6+s2], $0x80, v3, vm0, $0xb8;
	[tilespmem:$0x18100] =	vst v63  }
0x17e: {  	s25 =	simm.s32 $0xB900  }
0x17f: {  	[tilespmem:s25], [sflag:$0x2] =	stream.indirect_vreg.gather [hbm4b:s7+s2], $0x80, v3, vm0, $0xb8;
	[tilespmem:$0x18100] =	vst v63  }
0x180: {  	v3 =	vld [tilespmem:$0xF0];
	_ =	sdelay $0x4  }
0x181: {  	v63 =	vshll.u32 v3, $0x3  }
0x182: {  	v3 =	vand.u32 $0x7, v3;
	v4 =	vand.u32 $0xFFFFFFC0, v63  }
0x183: {  	v3 =	vor.u32 v3, v4  }
0x184: {  	v4 =	vperm.xlane v3, v0;
	_ =	sdelay $0x1  }
0x185: {  	v4 =	vadd.s32 v1, v4;
	_ =	sdelay $0x3  }
0x186: {  	s25 =	simm.s32 $0xC100  }
0x187: {  	[tilespmem:s25], [sflag:$0x2] =	stream.indirect_vreg.gather [hbm4b:s4+s2], $0x80, v4, vm0, $0xb8;
	[tilespmem:$0x18100] =	vst v63  }
0x188: {  	v3 =	vperm.xlane v3, v2;
	s25 =	simm.s32 $0xC900  }
0x189: {  	[tilespmem:s25], [sflag:$0x2] =	stream.indirect_vreg.gather [hbm4b:s5+s2], $0x80, v4, vm0, $0xb8;
	[tilespmem:$0x18100] =	vst v63  }
0x18a: {  	v3 =	vadd.s32 v1, v3;
	s25 =	simm.s32 $0xD100  }
0x18b: {  	[tilespmem:s25], [sflag:$0x2] =	stream.indirect_vreg.gather [hbm4b:s6+s2], $0x80, v4, vm0, $0xb8;
	[tilespmem:$0x18100] =	vst v63  }
0x18c: {  	s25 =	simm.s32 $0xD900  }
0x18d: {  	[tilespmem:s25], [sflag:$0x2] =	stream.indirect_vreg.gather [hbm4b:s7+s2], $0x80, v4, vm0, $0xb8;
	[tilespmem:$0x18100] =	vst v63  }
0x18e: {  	s25 =	simm.s32 $0xE100  }
0x18f: {  	[tilespmem:s25], [sflag:$0x2] =	stream.indirect_vreg.gather [hbm4b:s4+s2], $0x80, v3, vm0, $0xb8;
	[tilespmem:$0x18100] =	vst v63  }
0x190: {  	s25 =	simm.s32 $0xE900  }
0x191: {  	[tilespmem:s25], [sflag:$0x2] =	stream.indirect_vreg.gather [hbm4b:s5+s2], $0x80, v3, vm0, $0xb8;
	[tilespmem:$0x18100] =	vst v63  }
0x192: {  	s25 =	simm.s32 $0xF100  }
0x193: {  	[tilespmem:s25], [sflag:$0x2] =	stream.indirect_vreg.gather [hbm4b:s6+s2], $0x80, v3, vm0, $0xb8;
	[tilespmem:$0x18100] =	vst v63  }
0x194: {  	s25 =	simm.s32 $0xF900  }
0x195: {  	[tilespmem:s25], [sflag:$0x2] =	stream.indirect_vreg.gather [hbm4b:s7+s2], $0x80, v3, vm0, $0xb8;
	[tilespmem:$0x18100] =	vst v63  }
0x196: {  	_ =	swait.ge [sflag:s31], $0x8000  }
0x197: {  	[sflag:s31] =	ssyncset.done $0x0  }
0x198: {  	s3 =	rddreg [dreg:$0x8];
	[sflag:s31] =	ssyncadd.s32 $0xFFFF8000  }
0x199: {  	[hbm4b:s3+s2] =	stream.linear.scatter [tilespmem:s1], [sflag:$0x6], $0x8000, $0x38;
	[tilespmem:$0x18100] =	vst v63  }
0x19a: {  	_ =	swait.ge [sflag:s19], $0x8000  }
0x19b: {  	[sflag:s19] =	ssyncset.done $0x0  }
0x19c: {  	s1 =	rddreg [dreg:$0x9];
	[sflag:s19] =	ssyncadd.s32 $0xFFFF8000  }
0x19d: {  	[hbm4b:s1+s2] =	stream.linear.scatter [tilespmem:s26], [sflag:$0x4], $0x8000, $0x38;
	[tilespmem:$0x18100] =	vst v63  }
0x19e: {  	_ =	swait.ge [sflag:s21], $0x8000  }
0x19f: {  	[sflag:s21] =	ssyncset.done $0x0  }
0x1a0: {  	s3 =	rddreg [dreg:$0xa];
	[sflag:s21] =	ssyncadd.s32 $0xFFFF8000  }
0x1a1: {  	[hbm4b:s3+s2] =	stream.linear.scatter [tilespmem:s0], [sflag:$0x5], $0x8000, $0x38;
	[tilespmem:$0x18100] =	vst v63  }
0x1a2: {  	_ =	swait.ge [sflag:s24], $0x8000  }
0x1a3: {  	[sflag:s24] =	ssyncset.done $0x0  }
0x1a4: {  	[sflag:s24] =	ssyncadd.s32 $0xFFFF8000  }
0x1a5: {  	p0 =	sne.s32 s8, $0x1;
	_ =	swait.ge [sflag:s20], $0x8000  }
.Ltmp0:
0x1a6: {  	[sflag:s20] =	ssyncset.done $0x0;
	(pc) =	sbr.rel @p0 .LBB2_1-.Ltmp0, $4  }
0x1a7: {  	[sflag:s20] =	ssyncadd.s32 $0xFFFF8000  }
0x1a8: {  	_ =	swait.ge [sflag:s22], $0x8000  }
0x1a9: {  	[sflag:s22] =	ssyncset.done $0x0  }
0x1aa: {  	s8 =	sadd.s32 $0xFFFFFFFF, s8;
	[sflag:s22] =	ssyncadd.s32 $0xFFFF8000  }
0x1ab: {  	_ =	sfence.sel $0x180000  }
0x1ac: {  	[bflag:$0x0] =	sbarrier.arrive $0xFFFF  }
0x1ad: {  	_ =	strace $0x9000004A  }
0x1ae: {  	s0 =	stileid.u32;
	[bflag:$0x2] =	sbarrier.arrive $0xFFFF  }
0x1af: {  	p0 =	sne.s32 s0, $0x0;
	s0 =	rddreg [dreg:$0x2]  }
0x1b0: {  	s0 =	sadd.s32 @!p0 $0x100000, s0  }
0x1b1: {  	[sflag:s0] =	ssyncadd.tile.s32 @!p0 $0x1;
	_ =	shalt  }
.Lfunc_end2:
_tile_overlayer_lowered:
.L_overlay_start_2:
0x1b2: {  	(tag) =	ssettag $0x2  }
0x1b3: {  	s0 =	rddreg [dreg:$0x0];
	s2 =	stileid.u32  }
0x1b4: {  	s1 =	rddreg [dreg:$0x1];
	p0 =	sne.s32 s2, $0x0  }
0x1b5: {  	s3 =	rddreg [dreg:$0x2];
	[bflag:$0x3] =	sbarrier.arrive $0xFFFF;
	s2 =	simm.s32 @!p0 $0x1C07  }
0x1b6: {  	[timem:s3], [sflag:s2] =	dma.local @!p0 [hbm:s0], s1  }
0x1b7: {  	s0 =	simm.s32 @!p0 $0x7  }
0x1b8: {  	_ =	swait.ge @!p0 [sflag:s0], s1  }
0x1b9: {  	s1 =	ssub.s32 @!p0 $0x0, s1;
	[sflag:s0] =	ssyncset.done @!p0 $0x0  }
0x1ba: {  	[sflag:s0] =	ssyncadd.s32 @!p0 s1  }
0x1bb: {  	[bflag:$0x3] =	sbarrier.arrive $0xFFFF  }
0x1bc: {  	_ =	shalt  }

</sc_bundles>
